<compile_context>
chip_gen: v7x
topology: tpu7x:2x2x1
jax: 0.10.2.dev20260603
libtpu: 0.0.44.dev20260713+nightly
codegen_flags: <defaults>
</compile_context>

<pallas_src>
import functools

import jax
import jax.numpy as jnp
from jax import lax
from jax.experimental import pallas as pl
from jax.experimental.pallas import tpu as pltpu
from jax.experimental.pallas import tpu_sc as plsc

N = 10000
E = 320000
D = 128
H = 64

NC = 2
NS = 16
NW = NC * NS
L = 16

NPAD = 10240
RPS = NPAD // NS

KB = 128
EP = 327680
EPW = EP // NW
NB = EPW // KB
NPAIR = NB // 2

_mesh = plsc.VectorSubcoreMesh(core_axis_name="c", subcore_axis_name="s")
_params = pltpu.CompilerParams(needs_layout_passes=False)


@functools.partial(
    pl.kernel,
    out_type=(jax.ShapeDtypeStruct((NC, NPAD, D), jnp.float32),
              jax.ShapeDtypeStruct((NW * NPAD,), jnp.float32)),
    mesh=_mesh,
    scratch_types=[
        pltpu.VMEM((NB, KB), jnp.int32),
        pltpu.VMEM((NB, KB), jnp.int32),
        pltpu.VMEM((KB, D), jnp.float32),
        pltpu.VMEM((NPAD,), jnp.float32),
        pltpu.VMEM_SHARED((NPAD, D), jnp.float32),
        pltpu.SemaphoreType.DMA,
    ],
    compiler_params=_params,
)
def _seg_sum(x_hbm, src_hbm, dst_hbm, agg_hbm, deg_hbm,
             sidx_v, didx_v, rows0_v, hist_v, agg_sh, sem0):
    cid = lax.axis_index("c")
    sid = lax.axis_index("s")
    wid = sid * NC + cid

    zero = jnp.zeros((L,), jnp.float32)

    pltpu.sync_copy(src_hbm.at[wid], sidx_v)
    pltpu.sync_copy(dst_hbm.at[wid], didx_v)

    def _zrow(r, _):
        for j in range(D // L):
            rows0_v[r, pl.ds(j * L, L)] = zero
        return ()

    lax.fori_loop(0, KB, _zrow, ())

    def _zhist(g, _):
        hist_v[pl.ds(g * L, L)] = zero
        return ()

    lax.fori_loop(0, NPAD // L, _zhist, ())

    for c in range(RPS // KB):
        pltpu.sync_copy(rows0_v, agg_sh.at[pl.ds(sid * RPS + c * KB, KB), :])

    plsc.subcore_barrier()

    def _deg(b):
        for g in range(KB // L):
            dv = didx_v[b, pl.ds(g * L, L)]
            cnt, last = plsc.scan_count(dv)
            plsc.addupdate_scatter(hist_v, [dv], cnt.astype(jnp.float32),
                                   mask=last)

    def _batch(b, _):
        d = pltpu.async_copy(x_hbm.at[sidx_v.at[b]], rows0_v, sem0)
        _deg(b)
        d.wait()
        pltpu.sync_copy(rows0_v, agg_sh.at[didx_v.at[b]], add=True)
        return ()

    lax.fori_loop(0, NB, _batch, ())
    plsc.subcore_barrier()

    pltpu.sync_copy(agg_sh.at[pl.ds(sid * RPS, RPS), :],
                    agg_hbm.at[cid, pl.ds(sid * RPS, RPS), :])
    pltpu.sync_copy(hist_v, deg_hbm.at[pl.ds(wid * NPAD, NPAD)])


def _node_body(agg_ref, deg_ref, wenc_ref, benc_ref, w1a_ref, w1b_ref, b1_ref,
               c_ref):
    deg = jnp.maximum(jnp.sum(deg_ref[...], axis=1, keepdims=True), 1.0)
    s = agg_ref[0] + agg_ref[1]
    xb = s / deg
    ne = jnp.dot(xb, wenc_ref[...], preferred_element_type=jnp.float32)
    ne = jnp.maximum(ne + benc_ref[...][None, :], 0.0)
    a = jnp.dot(ne, w1a_ref[...], preferred_element_type=jnp.float32)
    b = (jnp.dot(ne, w1b_ref[...], preferred_element_type=jnp.float32)
         + b1_ref[...][None, :])
    c_ref[...] = jnp.concatenate([a, b], axis=1)


_RB = 1024


def _node_stage(agg2, deg2, W_enc, b_enc, W1a, W1b, b1):
    grid = NPAD // _RB
    return pl.pallas_call(
        _node_body,
        grid=(grid,),
        in_specs=[
            pl.BlockSpec((NC, _RB, D), lambda i: (0, i, 0)),
            pl.BlockSpec((_RB, NW), lambda i: (i, 0)),
            pl.BlockSpec((D, D), lambda i: (0, 0)),
            pl.BlockSpec((D,), lambda i: (0,)),
            pl.BlockSpec((D, H), lambda i: (0, 0)),
            pl.BlockSpec((D, H), lambda i: (0, 0)),
            pl.BlockSpec((H,), lambda i: (0,)),
        ],
        out_specs=pl.BlockSpec((_RB, D), lambda i: (i, 0)),
        out_shape=jax.ShapeDtypeStruct((NPAD, D), jnp.float32),
    )(agg2, deg2, W_enc, b_enc, W1a, W1b, b1)


@functools.partial(
    pl.kernel,
    out_type=jax.ShapeDtypeStruct((E,), jnp.float32),
    mesh=_mesh,
    scratch_types=[
        pltpu.VMEM((NB, KB), jnp.int32),
        pltpu.VMEM((NB, KB), jnp.int32),
        pltpu.VMEM((KB, D), jnp.float32),
        pltpu.VMEM((KB, D), jnp.float32),
        pltpu.VMEM((KB, D), jnp.float32),
        pltpu.VMEM((KB, D), jnp.float32),
        pltpu.VMEM((KB,), jnp.float32),
        pltpu.VMEM((H,), jnp.float32),
        pltpu.VMEM((L,), jnp.float32),
        pltpu.SemaphoreType.DMA,
        pltpu.SemaphoreType.DMA,
    ],
    compiler_params=_params,
)
def _edge_mlp(c_hbm, src_hbm, dst_hbm, w2_hbm, b2v_hbm, out_hbm,
              sidx_v, didx_v, cs0_v, cd0_v, cs1_v, cd1_v, out_v, w2_v, b2v_v,
              sem0, sem1):
    cid = lax.axis_index("c")
    sid = lax.axis_index("s")
    wid = sid * NC + cid

    pltpu.sync_copy(src_hbm.at[wid], sidx_v)
    pltpu.sync_copy(dst_hbm.at[wid], didx_v)
    pltpu.sync_copy(w2_hbm, w2_v)
    pltpu.sync_copy(b2v_hbm, b2v_v)
    w2 = [w2_v[pl.ds(j * L, L)] for j in range(H // L)]
    b2s = b2v_v[...]
    riota = jnp.arange(L, dtype=jnp.int32)

    def _issue(b, cs, cd, sem):
        _ = pltpu.async_copy(c_hbm.at[sidx_v.at[b]], cs, sem)
        _ = pltpu.async_copy(c_hbm.at[didx_v.at[b]], cd, sem)

    def _wait(b, cs, cd, sem):
        pltpu.make_async_copy(c_hbm.at[sidx_v.at[b]], cs, sem).wait()
        pltpu.make_async_copy(c_hbm.at[didx_v.at[b]], cd, sem).wait()

    lane0 = riota == 0

    def _compute(b, cs, cd):
        def _group(g, _):
            base = g * 8
            for i in range(8):
                row = base + i
                acc = b2s
                for j in range(H // L):
                    a = cs[row, pl.ds(j * L, L)]
                    bb = cd[row, pl.ds(H + j * L, L)]
                    acc = acc + jnp.maximum(a + bb, 0.0) * w2[j]
                r = jnp.sum(acc)
                plsc.store_scatter(out_v, [jnp.full((L,), row, jnp.int32)],
                                   jnp.full((L,), r, jnp.float32), mask=lane0)
            return ()

        lax.fori_loop(0, KB // 8, _group, ())

        @pl.when(wid * EPW + b * KB < E)
        def _():
            pltpu.sync_copy(out_v, out_hbm.at[pl.ds(wid * EPW + b * KB, KB)])

    _issue(0, cs0_v, cd0_v, sem0)

    def _pair(p, _):
        b0 = 2 * p
        b1 = b0 + 1
        _wait(b0, cs0_v, cd0_v, sem0)
        _issue(b1, cs1_v, cd1_v, sem1)
        _compute(b0, cs0_v, cd0_v)
        _wait(b1, cs1_v, cd1_v, sem1)

        @pl.when(b0 + 2 < NB)
        def _():
            _issue(b0 + 2, cs0_v, cd0_v, sem0)

        _compute(b1, cs1_v, cd1_v)
        return ()

    lax.fori_loop(0, NPAIR, _pair, ())


def kernel(x, edge_index, W_enc, b_enc, W1, b1, W2, b2):
    src = edge_index[0]
    dst = edge_index[1]
    pad = EP - E
    ar = jnp.arange(pad, dtype=jnp.int32)
    srcp = jnp.concatenate([src, ar % N])
    dstp = jnp.concatenate([dst, N + ar % (NPAD - N)])
    src3 = srcp.reshape(NW, NB, KB)
    dst3 = dstp.reshape(NW, NB, KB)
    agg2, deg_flat = _seg_sum(x, src3, dst3)
    deg2 = deg_flat.reshape(NW, NPAD).T
    C = _node_stage(agg2, deg2, W_enc, b_enc, W1[:D], W1[D:], b1)
    b2v = jnp.full((L,), b2[0], jnp.float32)
    logits = _edge_mlp(C, src3, dst3, W2.reshape(H), b2v)
    return logits.reshape(E, 1)

# --- scband reference (transcript-rebuilt; emitter-appended) ---
"""Pipeline reference for scband-view-learner-52475910423109 (READ-ONLY COPY).

The authoritative reference and input builder live on the scoring server;
editing this copy changes nothing except your own understanding.
"""

import jax, jax.numpy as jnp
import numpy as np

N = 10000
E = 320000
D = 128
H = 64


def setup_inputs(seed: int = 0) -> dict:
    key = jax.random.key(seed)
    ks = jax.random.split(key, 8)
    x = jax.random.normal(ks[0], (N, D), dtype=jnp.float32)
    edge_index = jax.random.randint(ks[1], (2, E), 0, N, dtype=jnp.int32)
    # Encoder params (simple mean-aggregation GCN layer, out_node_dim = D)
    W_enc = jax.random.normal(ks[2], (D, D), dtype=jnp.float32) * (1.0 / np.sqrt(D))
    b_enc = jnp.zeros((D,), dtype=jnp.float32)
    # mlp_edge_model: Linear(2D -> H), ReLU, Linear(H -> 1), xavier-uniform init, zero bias
    lim1 = np.sqrt(6.0 / (2 * D + H))
    W1 = jax.random.uniform(ks[3], (2 * D, H), dtype=jnp.float32, minval=-lim1, maxval=lim1)
    b1 = jnp.zeros((H,), dtype=jnp.float32)
    lim2 = np.sqrt(6.0 / (H + 1))
    W2 = jax.random.uniform(ks[4], (H, 1), dtype=jnp.float32, minval=-lim2, maxval=lim2)
    b2 = jnp.zeros((1,), dtype=jnp.float32)
    return {"x": x, "edge_index": edge_index, "W_enc": W_enc, "b_enc": b_enc,
            "W1": W1, "b1": b1, "W2": W2, "b2": b2}


def reference(x, edge_index, W_enc, b_enc, W1, b1, W2, b2):
    src = edge_index[0]
    dst = edge_index[1]
    # encoder: mean neighbor aggregation + linear + relu (out_node_dim = D)
    agg = jax.ops.segment_sum(x[src], dst, num_segments=N)
    deg = jax.ops.segment_sum(jnp.ones((E,), dtype=x.dtype), dst, num_segments=N)
    agg = agg / jnp.maximum(deg, 1.0)[:, None]
    node_emb = jax.nn.relu(agg @ W_enc + b_enc)
    # view learner: gather endpoint embeddings, per-edge MLP -> logits
    emb_src = node_emb[src]
    emb_dst = node_emb[dst]
    edge_emb = jnp.concatenate([emb_src, emb_dst], axis=1)
    h = jax.nn.relu(edge_emb @ W1 + b1)
    edge_logits = h @ W2 + b2
    return edge_logits

if __name__ == "__main__":
    import jax
    _d = setup_inputs()
    print(jax.jit(kernel)(*tuple(_d.values())))

</pallas_src>

<mosaic_0001>
#map = affine_map<(d0, d1) -> (0, 0)>
#map1 = affine_map<(d0, d1) -> (0, 0, 0)>
#map2 = affine_map<(d0, d1) -> (0)>
module attributes {stable_mosaic.version = 14 : i64} {
  func.func @_seg_sum(%arg0: i32, %arg1: i32, %arg2: memref<10000x128xf32, #tpu.memory_space<hbm>>, %arg3: memref<32x80x128xi32, #tpu.memory_space<hbm>>, %arg4: memref<32x80x128xi32, #tpu.memory_space<hbm>>, %arg5: memref<2x10240x128xf32, #tpu.memory_space<hbm>>, %arg6: memref<327680xf32, #tpu.memory_space<hbm>>, %arg7: memref<80x128xi32, #tpu.memory_space<vmem>>, %arg8: memref<80x128xi32, #tpu.memory_space<vmem>>, %arg9: memref<128x128xf32, #tpu.memory_space<vmem>>, %arg10: memref<10240xf32, #tpu.memory_space<vmem>>, %arg11: memref<10240x128xf32, #tpu.memory_space<vmem_shared>>, %arg12: memref<!tpu.dma_semaphore, #tpu.memory_space<semaphore_mem>>) attributes {dimension_semantics = [#tpu.dimension_semantics<core_parallel>, #tpu.dimension_semantics<subcore_parallel>], iteration_bounds = array<i64: 2, 16>, scalar_prefetch = 0 : i64, scratch_operands = 6 : i64, tpu.core_type = #tpu.core_type<sc_vector_subcore>, window_params = [{transform_indices = #map}, {transform_indices = #map1}, {transform_indices = #map1}, {transform_indices = #map1}, {transform_indices = #map2}]} {
    %mul3A = arith.constant 2 : i32
    %mul3A_0 = arith.muli %arg1, %mul3A : i32
    %add3A = arith.addi %mul3A_0, %arg0 : i32
    %broadcast_in_dim3A = arith.constant 0.000000e+00 : f32
    %broadcast_in_dim3A_1 = vector.broadcast %broadcast_in_dim3A : f32 to vector<16xf32>
    "tpu.region"() ({
      %run_scoped3A = tpu.sem_alloc : memref<!tpu.dma_semaphore, #tpu.memory_space<semaphore_mem>>
      %dma_start3A = arith.constant 0 : i32
      %dma_start3A_43 = arith.constant 0 : i32
      %dma_start3A_44 = tpu.memref_slice %arg3[%add3A, %dma_start3A, %dma_start3A_43] : memref<32x80x128xi32, #tpu.memory_space<hbm>> -> memref<1x80x128xi32, #tpu.memory_space<hbm>>
      %dma_start3A_45 = tpu.memref_squeeze %dma_start3A_44 : memref<1x80x128xi32, #tpu.memory_space<hbm>> -> memref<80x128xi32, #tpu.memory_space<hbm>>
      %dma_start3A_46 = arith.constant 0 : i32
      %dma_start3A_47 = arith.constant 0 : i32
      %dma_start3A_48 = tpu.memref_slice %arg3[%add3A, %dma_start3A_46, %dma_start3A_47] : memref<32x80x128xi32, #tpu.memory_space<hbm>> -> memref<1x80x128xi32, #tpu.memory_space<hbm>>
      %dma_start3A_49 = tpu.memref_squeeze %dma_start3A_48 : memref<1x80x128xi32, #tpu.memory_space<hbm>> -> memref<80x128xi32, #tpu.memory_space<hbm>>
      tpu.enqueue_dma source(%dma_start3A_49 : memref<80x128xi32, #tpu.memory_space<hbm>>) target(%arg7 : memref<80x128xi32, #tpu.memory_space<vmem>>) target_semaphore(%run_scoped3A : memref<!tpu.dma_semaphore, #tpu.memory_space<semaphore_mem>>)
      %dma_wait3A = arith.constant 0 : i32
      %dma_wait3A_50 = arith.constant 0 : i32
      %dma_wait3A_51 = tpu.memref_slice %arg3[%add3A, %dma_wait3A, %dma_wait3A_50] : memref<32x80x128xi32, #tpu.memory_space<hbm>> -> memref<1x80x128xi32, #tpu.memory_space<hbm>>
      %dma_wait3A_52 = tpu.memref_squeeze %dma_wait3A_51 : memref<1x80x128xi32, #tpu.memory_space<hbm>> -> memref<80x128xi32, #tpu.memory_space<hbm>>
      %dma_wait3A_53 = arith.constant 0 : i32
      %dma_wait3A_54 = arith.constant 0 : i32
      %dma_wait3A_55 = tpu.memref_slice %arg3[%add3A, %dma_wait3A_53, %dma_wait3A_54] : memref<32x80x128xi32, #tpu.memory_space<hbm>> -> memref<1x80x128xi32, #tpu.memory_space<hbm>>
      %dma_wait3A_56 = tpu.memref_squeeze %dma_wait3A_55 : memref<1x80x128xi32, #tpu.memory_space<hbm>> -> memref<80x128xi32, #tpu.memory_space<hbm>>
      tpu.wait_dma2 semaphore(%run_scoped3A : memref<!tpu.dma_semaphore, #tpu.memory_space<semaphore_mem>>) src(%dma_wait3A_56 : memref<80x128xi32, #tpu.memory_space<hbm>>) dst(%arg7 : memref<80x128xi32, #tpu.memory_space<vmem>>)
      tpu.yield
    }) : () -> ()
    "tpu.region"() ({
      %run_scoped3A = tpu.sem_alloc : memref<!tpu.dma_semaphore, #tpu.memory_space<semaphore_mem>>
      %dma_start3A = arith.constant 0 : i32
      %dma_start3A_43 = arith.constant 0 : i32
      %dma_start3A_44 = tpu.memref_slice %arg4[%add3A, %dma_start3A, %dma_start3A_43] : memref<32x80x128xi32, #tpu.memory_space<hbm>> -> memref<1x80x128xi32, #tpu.memory_space<hbm>>
      %dma_start3A_45 = tpu.memref_squeeze %dma_start3A_44 : memref<1x80x128xi32, #tpu.memory_space<hbm>> -> memref<80x128xi32, #tpu.memory_space<hbm>>
      %dma_start3A_46 = arith.constant 0 : i32
      %dma_start3A_47 = arith.constant 0 : i32
      %dma_start3A_48 = tpu.memref_slice %arg4[%add3A, %dma_start3A_46, %dma_start3A_47] : memref<32x80x128xi32, #tpu.memory_space<hbm>> -> memref<1x80x128xi32, #tpu.memory_space<hbm>>
      %dma_start3A_49 = tpu.memref_squeeze %dma_start3A_48 : memref<1x80x128xi32, #tpu.memory_space<hbm>> -> memref<80x128xi32, #tpu.memory_space<hbm>>
      tpu.enqueue_dma source(%dma_start3A_49 : memref<80x128xi32, #tpu.memory_space<hbm>>) target(%arg8 : memref<80x128xi32, #tpu.memory_space<vmem>>) target_semaphore(%run_scoped3A : memref<!tpu.dma_semaphore, #tpu.memory_space<semaphore_mem>>)
      %dma_wait3A = arith.constant 0 : i32
      %dma_wait3A_50 = arith.constant 0 : i32
      %dma_wait3A_51 = tpu.memref_slice %arg4[%add3A, %dma_wait3A, %dma_wait3A_50] : memref<32x80x128xi32, #tpu.memory_space<hbm>> -> memref<1x80x128xi32, #tpu.memory_space<hbm>>
      %dma_wait3A_52 = tpu.memref_squeeze %dma_wait3A_51 : memref<1x80x128xi32, #tpu.memory_space<hbm>> -> memref<80x128xi32, #tpu.memory_space<hbm>>
      %dma_wait3A_53 = arith.constant 0 : i32
      %dma_wait3A_54 = arith.constant 0 : i32
      %dma_wait3A_55 = tpu.memref_slice %arg4[%add3A, %dma_wait3A_53, %dma_wait3A_54] : memref<32x80x128xi32, #tpu.memory_space<hbm>> -> memref<1x80x128xi32, #tpu.memory_space<hbm>>
      %dma_wait3A_56 = tpu.memref_squeeze %dma_wait3A_55 : memref<1x80x128xi32, #tpu.memory_space<hbm>> -> memref<80x128xi32, #tpu.memory_space<hbm>>
      tpu.wait_dma2 semaphore(%run_scoped3A : memref<!tpu.dma_semaphore, #tpu.memory_space<semaphore_mem>>) src(%dma_wait3A_56 : memref<80x128xi32, #tpu.memory_space<hbm>>) dst(%arg8 : memref<80x128xi32, #tpu.memory_space<vmem>>)
      tpu.yield
    }) : () -> ()
    %scan3A = arith.constant 0 : i32
    %scan3A_2 = arith.constant 128 : i32
    %scan3A_3 = arith.addi %scan3A, %scan3A_2 : i32
    %scan3A_4 = arith.constant 1 : i32
    scf.for %scan3A_43 = %scan3A to %scan3A_3 step %scan3A_4  : i32 {
      %swap3A = arith.index_cast %scan3A_43 : i32 to index
      %swap3A_44 = arith.constant 0 : index
      %swap3A_45 = tpu.vector_load %arg9[%swap3A, %swap3A_44] {strides = array<i32>} : memref<128x128xf32, #tpu.memory_space<vmem>>, vector<16xf32>,
      tpu.vector_store %arg9[%swap3A, %swap3A_44], %broadcast_in_dim3A_1 {strides = array<i32>} : memref<128x128xf32, #tpu.memory_space<vmem>>, vector<16xf32>,
      %swap3A_46 = arith.index_cast %scan3A_43 : i32 to index
      %swap3A_47 = arith.constant 16 : index
      %swap3A_48 = tpu.vector_load %arg9[%swap3A_46, %swap3A_47] {strides = array<i32>} : memref<128x128xf32, #tpu.memory_space<vmem>>, vector<16xf32>,
      tpu.vector_store %arg9[%swap3A_46, %swap3A_47], %broadcast_in_dim3A_1 {strides = array<i32>} : memref<128x128xf32, #tpu.memory_space<vmem>>, vector<16xf32>,
      %swap3A_49 = arith.index_cast %scan3A_43 : i32 to index
      %swap3A_50 = arith.constant 32 : index
      %swap3A_51 = tpu.vector_load %arg9[%swap3A_49, %swap3A_50] {strides = array<i32>} : memref<128x128xf32, #tpu.memory_space<vmem>>, vector<16xf32>,
      tpu.vector_store %arg9[%swap3A_49, %swap3A_50], %broadcast_in_dim3A_1 {strides = array<i32>} : memref<128x128xf32, #tpu.memory_space<vmem>>, vector<16xf32>,
      %swap3A_52 = arith.index_cast %scan3A_43 : i32 to index
      %swap3A_53 = arith.constant 48 : index
      %swap3A_54 = tpu.vector_load %arg9[%swap3A_52, %swap3A_53] {strides = array<i32>} : memref<128x128xf32, #tpu.memory_space<vmem>>, vector<16xf32>,
      tpu.vector_store %arg9[%swap3A_52, %swap3A_53], %broadcast_in_dim3A_1 {strides = array<i32>} : memref<128x128xf32, #tpu.memory_space<vmem>>, vector<16xf32>,
      %swap3A_55 = arith.index_cast %scan3A_43 : i32 to index
      %swap3A_56 = arith.constant 64 : index
      %swap3A_57 = tpu.vector_load %arg9[%swap3A_55, %swap3A_56] {strides = array<i32>} : memref<128x128xf32, #tpu.memory_space<vmem>>, vector<16xf32>,
      tpu.vector_store %arg9[%swap3A_55, %swap3A_56], %broadcast_in_dim3A_1 {strides = array<i32>} : memref<128x128xf32, #tpu.memory_space<vmem>>, vector<16xf32>,
      %swap3A_58 = arith.index_cast %scan3A_43 : i32 to index
      %swap3A_59 = arith.constant 80 : index
      %swap3A_60 = tpu.vector_load %arg9[%swap3A_58, %swap3A_59] {strides = array<i32>} : memref<128x128xf32, #tpu.memory_space<vmem>>, vector<16xf32>,
      tpu.vector_store %arg9[%swap3A_58, %swap3A_59], %broadcast_in_dim3A_1 {strides = array<i32>} : memref<128x128xf32, #tpu.memory_space<vmem>>, vector<16xf32>,
      %swap3A_61 = arith.index_cast %scan3A_43 : i32 to index
      %swap3A_62 = arith.constant 96 : index
      %swap3A_63 = tpu.vector_load %arg9[%swap3A_61, %swap3A_62] {strides = array<i32>} : memref<128x128xf32, #tpu.memory_space<vmem>>, vector<16xf32>,
      tpu.vector_store %arg9[%swap3A_61, %swap3A_62], %broadcast_in_dim3A_1 {strides = array<i32>} : memref<128x128xf32, #tpu.memory_space<vmem>>, vector<16xf32>,
      %swap3A_64 = arith.index_cast %scan3A_43 : i32 to index
      %swap3A_65 = arith.constant 112 : index
      %swap3A_66 = tpu.vector_load %arg9[%swap3A_64, %swap3A_65] {strides = array<i32>} : memref<128x128xf32, #tpu.memory_space<vmem>>, vector<16xf32>,
      tpu.vector_store %arg9[%swap3A_64, %swap3A_65], %broadcast_in_dim3A_1 {strides = array<i32>} : memref<128x128xf32, #tpu.memory_space<vmem>>, vector<16xf32>,
    }
    %scan3A_5 = arith.constant 128 : i32
    %scan3A_6 = arith.constant 0 : i32
    %scan3A_7 = arith.constant 640 : i32
    %scan3A_8 = arith.addi %scan3A_6, %scan3A_7 : i32
    %scan3A_9 = arith.constant 1 : i32
    scf.for %scan3A_43 = %scan3A_6 to %scan3A_8 step %scan3A_9  : i32 {
      %mul3A_44 = arith.constant 16 : i32
      %mul3A_45 = arith.muli %scan3A_43, %mul3A_44 : i32
      %swap3A = arith.index_cast %mul3A_45 : i32 to index
      %swap3A_46 = tpu.vector_load %arg10[%swap3A] {strides = array<i32>} : memref<10240xf32, #tpu.memory_space<vmem>>, vector<16xf32>,
      tpu.vector_store %arg10[%swap3A], %broadcast_in_dim3A_1 {strides = array<i32>} : memref<10240xf32, #tpu.memory_space<vmem>>, vector<16xf32>,
    }
    %scan3A_10 = arith.constant 640 : i32
    %mul3A_11 = arith.constant 640 : i32
    %mul3A_12 = arith.muli %arg1, %mul3A_11 : i32
    %add3A_13 = arith.constant 0 : i32
    %add3A_14 = arith.addi %mul3A_12, %add3A_13 : i32
    "tpu.region"() ({
      %run_scoped3A = tpu.sem_alloc : memref<!tpu.dma_semaphore, #tpu.memory_space<semaphore_mem>>
      %dma_start3A = arith.constant 0 : i32
      %dma_start3A_43 = tpu.memref_slice %arg11[%add3A_14, %dma_start3A] : memref<10240x128xf32, #tpu.memory_space<vmem_shared>> -> memref<128x128xf32, #tpu.memory_space<vmem_shared>>
      %dma_start3A_44 = arith.constant 0 : i32
      %dma_start3A_45 = tpu.memref_slice %arg11[%add3A_14, %dma_start3A_44] : memref<10240x128xf32, #tpu.memory_space<vmem_shared>> -> memref<128x128xf32, #tpu.memory_space<vmem_shared>>
      tpu.enqueue_dma source(%arg9 : memref<128x128xf32, #tpu.memory_space<vmem>>) target(%dma_start3A_45 : memref<128x128xf32, #tpu.memory_space<vmem_shared>>) target_semaphore(%run_scoped3A : memref<!tpu.dma_semaphore, #tpu.memory_space<semaphore_mem>>)
      %dma_wait3A = arith.constant 0 : i32
      %dma_wait3A_46 = tpu.memref_slice %arg11[%add3A_14, %dma_wait3A] : memref<10240x128xf32, #tpu.memory_space<vmem_shared>> -> memref<128x128xf32, #tpu.memory_space<vmem_shared>>
      %dma_wait3A_47 = arith.constant 0 : i32
      %dma_wait3A_48 = tpu.memref_slice %arg11[%add3A_14, %dma_wait3A_47] : memref<10240x128xf32, #tpu.memory_space<vmem_shared>> -> memref<128x128xf32, #tpu.memory_space<vmem_shared>>
      tpu.wait_dma2 semaphore(%run_scoped3A : memref<!tpu.dma_semaphore, #tpu.memory_space<semaphore_mem>>) src(%arg9 : memref<128x128xf32, #tpu.memory_space<vmem>>) dst(%dma_wait3A_48 : memref<128x128xf32, #tpu.memory_space<vmem_shared>>)
      tpu.yield
    }) : () -> ()
    %mul3A_15 = arith.constant 640 : i32
    %mul3A_16 = arith.muli %arg1, %mul3A_15 : i32
    %add3A_17 = arith.constant 128 : i32
    %add3A_18 = arith.addi %mul3A_16, %add3A_17 : i32
    "tpu.region"() ({
      %run_scoped3A = tpu.sem_alloc : memref<!tpu.dma_semaphore, #tpu.memory_space<semaphore_mem>>
      %dma_start3A = arith.constant 0 : i32
      %dma_start3A_43 = tpu.memref_slice %arg11[%add3A_18, %dma_start3A] : memref<10240x128xf32, #tpu.memory_space<vmem_shared>> -> memref<128x128xf32, #tpu.memory_space<vmem_shared>>
      %dma_start3A_44 = arith.constant 0 : i32
      %dma_start3A_45 = tpu.memref_slice %arg11[%add3A_18, %dma_start3A_44] : memref<10240x128xf32, #tpu.memory_space<vmem_shared>> -> memref<128x128xf32, #tpu.memory_space<vmem_shared>>
      tpu.enqueue_dma source(%arg9 : memref<128x128xf32, #tpu.memory_space<vmem>>) target(%dma_start3A_45 : memref<128x128xf32, #tpu.memory_space<vmem_shared>>) target_semaphore(%run_scoped3A : memref<!tpu.dma_semaphore, #tpu.memory_space<semaphore_mem>>)
      %dma_wait3A = arith.constant 0 : i32
      %dma_wait3A_46 = tpu.memref_slice %arg11[%add3A_18, %dma_wait3A] : memref<10240x128xf32, #tpu.memory_space<vmem_shared>> -> memref<128x128xf32, #tpu.memory_space<vmem_shared>>
      %dma_wait3A_47 = arith.constant 0 : i32
      %dma_wait3A_48 = tpu.memref_slice %arg11[%add3A_18, %dma_wait3A_47] : memref<10240x128xf32, #tpu.memory_space<vmem_shared>> -> memref<128x128xf32, #tpu.memory_space<vmem_shared>>
      tpu.wait_dma2 semaphore(%run_scoped3A : memref<!tpu.dma_semaphore, #tpu.memory_space<semaphore_mem>>) src(%arg9 : memref<128x128xf32, #tpu.memory_space<vmem>>) dst(%dma_wait3A_48 : memref<128x128xf32, #tpu.memory_space<vmem_shared>>)
      tpu.yield
    }) : () -> ()
    %mul3A_19 = arith.constant 640 : i32
    %mul3A_20 = arith.muli %arg1, %mul3A_19 : i32
    %add3A_21 = arith.constant 256 : i32
    %add3A_22 = arith.addi %mul3A_20, %add3A_21 : i32
    "tpu.region"() ({
      %run_scoped3A = tpu.sem_alloc : memref<!tpu.dma_semaphore, #tpu.memory_space<semaphore_mem>>
      %dma_start3A = arith.constant 0 : i32
      %dma_start3A_43 = tpu.memref_slice %arg11[%add3A_22, %dma_start3A] : memref<10240x128xf32, #tpu.memory_space<vmem_shared>> -> memref<128x128xf32, #tpu.memory_space<vmem_shared>>
      %dma_start3A_44 = arith.constant 0 : i32
      %dma_start3A_45 = tpu.memref_slice %arg11[%add3A_22, %dma_start3A_44] : memref<10240x128xf32, #tpu.memory_space<vmem_shared>> -> memref<128x128xf32, #tpu.memory_space<vmem_shared>>
      tpu.enqueue_dma source(%arg9 : memref<128x128xf32, #tpu.memory_space<vmem>>) target(%dma_start3A_45 : memref<128x128xf32, #tpu.memory_space<vmem_shared>>) target_semaphore(%run_scoped3A : memref<!tpu.dma_semaphore, #tpu.memory_space<semaphore_mem>>)
      %dma_wait3A = arith.constant 0 : i32
      %dma_wait3A_46 = tpu.memref_slice %arg11[%add3A_22, %dma_wait3A] : memref<10240x128xf32, #tpu.memory_space<vmem_shared>> -> memref<128x128xf32, #tpu.memory_space<vmem_shared>>
      %dma_wait3A_47 = arith.constant 0 : i32
      %dma_wait3A_48 = tpu.memref_slice %arg11[%add3A_22, %dma_wait3A_47] : memref<10240x128xf32, #tpu.memory_space<vmem_shared>> -> memref<128x128xf32, #tpu.memory_space<vmem_shared>>
      tpu.wait_dma2 semaphore(%run_scoped3A : memref<!tpu.dma_semaphore, #tpu.memory_space<semaphore_mem>>) src(%arg9 : memref<128x128xf32, #tpu.memory_space<vmem>>) dst(%dma_wait3A_48 : memref<128x128xf32, #tpu.memory_space<vmem_shared>>)
      tpu.yield
    }) : () -> ()
    %mul3A_23 = arith.constant 640 : i32
    %mul3A_24 = arith.muli %arg1, %mul3A_23 : i32
    %add3A_25 = arith.constant 384 : i32
    %add3A_26 = arith.addi %mul3A_24, %add3A_25 : i32
    "tpu.region"() ({
      %run_scoped3A = tpu.sem_alloc : memref<!tpu.dma_semaphore, #tpu.memory_space<semaphore_mem>>
      %dma_start3A = arith.constant 0 : i32
      %dma_start3A_43 = tpu.memref_slice %arg11[%add3A_26, %dma_start3A] : memref<10240x128xf32, #tpu.memory_space<vmem_shared>> -> memref<128x128xf32, #tpu.memory_space<vmem_shared>>
      %dma_start3A_44 = arith.constant 0 : i32
      %dma_start3A_45 = tpu.memref_slice %arg11[%add3A_26, %dma_start3A_44] : memref<10240x128xf32, #tpu.memory_space<vmem_shared>> -> memref<128x128xf32, #tpu.memory_space<vmem_shared>>
      tpu.enqueue_dma source(%arg9 : memref<128x128xf32, #tpu.memory_space<vmem>>) target(%dma_start3A_45 : memref<128x128xf32, #tpu.memory_space<vmem_shared>>) target_semaphore(%run_scoped3A : memref<!tpu.dma_semaphore, #tpu.memory_space<semaphore_mem>>)
      %dma_wait3A = arith.constant 0 : i32
      %dma_wait3A_46 = tpu.memref_slice %arg11[%add3A_26, %dma_wait3A] : memref<10240x128xf32, #tpu.memory_space<vmem_shared>> -> memref<128x128xf32, #tpu.memory_space<vmem_shared>>
      %dma_wait3A_47 = arith.constant 0 : i32
      %dma_wait3A_48 = tpu.memref_slice %arg11[%add3A_26, %dma_wait3A_47] : memref<10240x128xf32, #tpu.memory_space<vmem_shared>> -> memref<128x128xf32, #tpu.memory_space<vmem_shared>>
      tpu.wait_dma2 semaphore(%run_scoped3A : memref<!tpu.dma_semaphore, #tpu.memory_space<semaphore_mem>>) src(%arg9 : memref<128x128xf32, #tpu.memory_space<vmem>>) dst(%dma_wait3A_48 : memref<128x128xf32, #tpu.memory_space<vmem_shared>>)
      tpu.yield
    }) : () -> ()
    %mul3A_27 = arith.constant 640 : i32
    %mul3A_28 = arith.muli %arg1, %mul3A_27 : i32
    %add3A_29 = arith.constant 512 : i32
    %add3A_30 = arith.addi %mul3A_28, %add3A_29 : i32
    "tpu.region"() ({
      %run_scoped3A = tpu.sem_alloc : memref<!tpu.dma_semaphore, #tpu.memory_space<semaphore_mem>>
      %dma_start3A = arith.constant 0 : i32
      %dma_start3A_43 = tpu.memref_slice %arg11[%add3A_30, %dma_start3A] : memref<10240x128xf32, #tpu.memory_space<vmem_shared>> -> memref<128x128xf32, #tpu.memory_space<vmem_shared>>
      %dma_start3A_44 = arith.constant 0 : i32
      %dma_start3A_45 = tpu.memref_slice %arg11[%add3A_30, %dma_start3A_44] : memref<10240x128xf32, #tpu.memory_space<vmem_shared>> -> memref<128x128xf32, #tpu.memory_space<vmem_shared>>
      tpu.enqueue_dma source(%arg9 : memref<128x128xf32, #tpu.memory_space<vmem>>) target(%dma_start3A_45 : memref<128x128xf32, #tpu.memory_space<vmem_shared>>) target_semaphore(%run_scoped3A : memref<!tpu.dma_semaphore, #tpu.memory_space<semaphore_mem>>)
      %dma_wait3A = arith.constant 0 : i32
      %dma_wait3A_46 = tpu.memref_slice %arg11[%add3A_30, %dma_wait3A] : memref<10240x128xf32, #tpu.memory_space<vmem_shared>> -> memref<128x128xf32, #tpu.memory_space<vmem_shared>>
      %dma_wait3A_47 = arith.constant 0 : i32
      %dma_wait3A_48 = tpu.memref_slice %arg11[%add3A_30, %dma_wait3A_47] : memref<10240x128xf32, #tpu.memory_space<vmem_shared>> -> memref<128x128xf32, #tpu.memory_space<vmem_shared>>
      tpu.wait_dma2 semaphore(%run_scoped3A : memref<!tpu.dma_semaphore, #tpu.memory_space<semaphore_mem>>) src(%arg9 : memref<128x128xf32, #tpu.memory_space<vmem>>) dst(%dma_wait3A_48 : memref<128x128xf32, #tpu.memory_space<vmem_shared>>)
      tpu.yield
    }) : () -> ()
    %barrier3A = arith.constant 0 : index
    tpu.barrier barrier_id(%barrier3A)
    %scan3A_31 = arith.constant 0 : i32
    %scan3A_32 = arith.constant 80 : i32
    %scan3A_33 = arith.addi %scan3A_31, %scan3A_32 : i32
    %scan3A_34 = arith.constant 1 : i32
    scf.for %scan3A_43 = %scan3A_31 to %scan3A_33 step %scan3A_34  : i32 {
      %dma_start3A = arith.constant 0 : i32
      %dma_start3A_44 = tpu.memref_slice %arg7[%scan3A_43, %dma_start3A] : memref<80x128xi32, #tpu.memory_space<vmem>> -> memref<1x128xi32, #tpu.memory_space<vmem>>
      %dma_start3A_45 = tpu.memref_squeeze %dma_start3A_44 : memref<1x128xi32, #tpu.memory_space<vmem>> -> memref<128xi32, #tpu.memory_space<vmem>>
      %dma_start3A_46 = arith.constant 0 : i32
      %dma_start3A_47 = arith.constant 0 : i32
      %dma_start3A_48 = tpu.memref_slice %arg2[%dma_start3A_46, %dma_start3A_47] : memref<10000x128xf32, #tpu.memory_space<hbm>> -> memref<10000x128xf32, #tpu.memory_space<hbm>>
      tpu.enqueue_indirect_dma source(%dma_start3A_48 : memref<10000x128xf32, #tpu.memory_space<hbm>>) target(%arg9 : memref<128x128xf32, #tpu.memory_space<vmem>>) offsets(%dma_start3A_45 : memref<128xi32, #tpu.memory_space<vmem>>) semaphore(%arg12 : memref<!tpu.dma_semaphore, #tpu.memory_space<semaphore_mem>>)
      %get3A = arith.index_cast %scan3A_43 : i32 to index
      %get3A_49 = arith.constant 0 : index
      %get3A_50 = tpu.vector_load %arg8[%get3A, %get3A_49] {strides = array<i32>} : memref<80x128xi32, #tpu.memory_space<vmem>>, vector<16xi32>,
      %broadcast_in_dim3A_51 = arith.constant true
      %broadcast_in_dim3A_52 = vector.broadcast %broadcast_in_dim3A_51 : i1 to vector<16xi1>
      %unique3A, %unique3A_53 = tpu.scan_count mask(%broadcast_in_dim3A_52 : vector<16xi1>) value(%get3A_50 : vector<16xi32>) : vector<16xi1>, vector<16xi32>
      %convert_element_type3A = arith.sitofp %unique3A_53 : vector<16xi32> to vector<16xf32>
      tpu.vector_store_idx %arg10[%get3A_50], %convert_element_type3A masked %unique3A {add = true} : memref<10240xf32, #tpu.memory_space<vmem>>[vector<16xi32>], vector<16xf32>, vector<16xi1>
      %get3A_54 = arith.index_cast %scan3A_43 : i32 to index
      %get3A_55 = arith.constant 16 : index
      %get3A_56 = tpu.vector_load %arg8[%get3A_54, %get3A_55] {strides = array<i32>} : memref<80x128xi32, #tpu.memory_space<vmem>>, vector<16xi32>,
      %broadcast_in_dim3A_57 = arith.constant true
      %broadcast_in_dim3A_58 = vector.broadcast %broadcast_in_dim3A_57 : i1 to vector<16xi1>
      %unique3A_59, %unique3A_60 = tpu.scan_count mask(%broadcast_in_dim3A_58 : vector<16xi1>) value(%get3A_56 : vector<16xi32>) : vector<16xi1>, vector<16xi32>
      %convert_element_type3A_61 = arith.sitofp %unique3A_60 : vector<16xi32> to vector<16xf32>
      tpu.vector_store_idx %arg10[%get3A_56], %convert_element_type3A_61 masked %unique3A_59 {add = true} : memref<10240xf32, #tpu.memory_space<vmem>>[vector<16xi32>], vector<16xf32>, vector<16xi1>
      %get3A_62 = arith.index_cast %scan3A_43 : i32 to index
      %get3A_63 = arith.constant 32 : index
      %get3A_64 = tpu.vector_load %arg8[%get3A_62, %get3A_63] {strides = array<i32>} : memref<80x128xi32, #tpu.memory_space<vmem>>, vector<16xi32>,
      %broadcast_in_dim3A_65 = arith.constant true
      %broadcast_in_dim3A_66 = vector.broadcast %broadcast_in_dim3A_65 : i1 to vector<16xi1>
      %unique3A_67, %unique3A_68 = tpu.scan_count mask(%broadcast_in_dim3A_66 : vector<16xi1>) value(%get3A_64 : vector<16xi32>) : vector<16xi1>, vector<16xi32>
      %convert_element_type3A_69 = arith.sitofp %unique3A_68 : vector<16xi32> to vector<16xf32>
      tpu.vector_store_idx %arg10[%get3A_64], %convert_element_type3A_69 masked %unique3A_67 {add = true} : memref<10240xf32, #tpu.memory_space<vmem>>[vector<16xi32>], vector<16xf32>, vector<16xi1>
      %get3A_70 = arith.index_cast %scan3A_43 : i32 to index
      %get3A_71 = arith.constant 48 : index
      %get3A_72 = tpu.vector_load %arg8[%get3A_70, %get3A_71] {strides = array<i32>} : memref<80x128xi32, #tpu.memory_space<vmem>>, vector<16xi32>,
      %broadcast_in_dim3A_73 = arith.constant true
      %broadcast_in_dim3A_74 = vector.broadcast %broadcast_in_dim3A_73 : i1 to vector<16xi1>
      %unique3A_75, %unique3A_76 = tpu.scan_count mask(%broadcast_in_dim3A_74 : vector<16xi1>) value(%get3A_72 : vector<16xi32>) : vector<16xi1>, vector<16xi32>
      %convert_element_type3A_77 = arith.sitofp %unique3A_76 : vector<16xi32> to vector<16xf32>
      tpu.vector_store_idx %arg10[%get3A_72], %convert_element_type3A_77 masked %unique3A_75 {add = true} : memref<10240xf32, #tpu.memory_space<vmem>>[vector<16xi32>], vector<16xf32>, vector<16xi1>
      %get3A_78 = arith.index_cast %scan3A_43 : i32 to index
      %get3A_79 = arith.constant 64 : index
      %get3A_80 = tpu.vector_load %arg8[%get3A_78, %get3A_79] {strides = array<i32>} : memref<80x128xi32, #tpu.memory_space<vmem>>, vector<16xi32>,
      %broadcast_in_dim3A_81 = arith.constant true
      %broadcast_in_dim3A_82 = vector.broadcast %broadcast_in_dim3A_81 : i1 to vector<16xi1>
      %unique3A_83, %unique3A_84 = tpu.scan_count mask(%broadcast_in_dim3A_82 : vector<16xi1>) value(%get3A_80 : vector<16xi32>) : vector<16xi1>, vector<16xi32>
      %convert_element_type3A_85 = arith.sitofp %unique3A_84 : vector<16xi32> to vector<16xf32>
      tpu.vector_store_idx %arg10[%get3A_80], %convert_element_type3A_85 masked %unique3A_83 {add = true} : memref<10240xf32, #tpu.memory_space<vmem>>[vector<16xi32>], vector<16xf32>, vector<16xi1>
      %get3A_86 = arith.index_cast %scan3A_43 : i32 to index
      %get3A_87 = arith.constant 80 : index
      %get3A_88 = tpu.vector_load %arg8[%get3A_86, %get3A_87] {strides = array<i32>} : memref<80x128xi32, #tpu.memory_space<vmem>>, vector<16xi32>,
      %broadcast_in_dim3A_89 = arith.constant true
      %broadcast_in_dim3A_90 = vector.broadcast %broadcast_in_dim3A_89 : i1 to vector<16xi1>
      %unique3A_91, %unique3A_92 = tpu.scan_count mask(%broadcast_in_dim3A_90 : vector<16xi1>) value(%get3A_88 : vector<16xi32>) : vector<16xi1>, vector<16xi32>
      %convert_element_type3A_93 = arith.sitofp %unique3A_92 : vector<16xi32> to vector<16xf32>
      tpu.vector_store_idx %arg10[%get3A_88], %convert_element_type3A_93 masked %unique3A_91 {add = true} : memref<10240xf32, #tpu.memory_space<vmem>>[vector<16xi32>], vector<16xf32>, vector<16xi1>
      %get3A_94 = arith.index_cast %scan3A_43 : i32 to index
      %get3A_95 = arith.constant 96 : index
      %get3A_96 = tpu.vector_load %arg8[%get3A_94, %get3A_95] {strides = array<i32>} : memref<80x128xi32, #tpu.memory_space<vmem>>, vector<16xi32>,
      %broadcast_in_dim3A_97 = arith.constant true
      %broadcast_in_dim3A_98 = vector.broadcast %broadcast_in_dim3A_97 : i1 to vector<16xi1>
      %unique3A_99, %unique3A_100 = tpu.scan_count mask(%broadcast_in_dim3A_98 : vector<16xi1>) value(%get3A_96 : vector<16xi32>) : vector<16xi1>, vector<16xi32>
      %convert_element_type3A_101 = arith.sitofp %unique3A_100 : vector<16xi32> to vector<16xf32>
      tpu.vector_store_idx %arg10[%get3A_96], %convert_element_type3A_101 masked %unique3A_99 {add = true} : memref<10240xf32, #tpu.memory_space<vmem>>[vector<16xi32>], vector<16xf32>, vector<16xi1>
      %get3A_102 = arith.index_cast %scan3A_43 : i32 to index
      %get3A_103 = arith.constant 112 : index
      %get3A_104 = tpu.vector_load %arg8[%get3A_102, %get3A_103] {strides = array<i32>} : memref<80x128xi32, #tpu.memory_space<vmem>>, vector<16xi32>,
      %broadcast_in_dim3A_105 = arith.constant true
      %broadcast_in_dim3A_106 = vector.broadcast %broadcast_in_dim3A_105 : i1 to vector<16xi1>
      %unique3A_107, %unique3A_108 = tpu.scan_count mask(%broadcast_in_dim3A_106 : vector<16xi1>) value(%get3A_104 : vector<16xi32>) : vector<16xi1>, vector<16xi32>
      %convert_element_type3A_109 = arith.sitofp %unique3A_108 : vector<16xi32> to vector<16xf32>
      tpu.vector_store_idx %arg10[%get3A_104], %convert_element_type3A_109 masked %unique3A_107 {add = true} : memref<10240xf32, #tpu.memory_space<vmem>>[vector<16xi32>], vector<16xf32>, vector<16xi1>
      %dma_wait3A = arith.constant 0 : i32
      %dma_wait3A_110 = tpu.memref_slice %arg7[%scan3A_43, %dma_wait3A] : memref<80x128xi32, #tpu.memory_space<vmem>> -> memref<1x128xi32, #tpu.memory_space<vmem>>
      %dma_wait3A_111 = tpu.memref_squeeze %dma_wait3A_110 : memref<1x128xi32, #tpu.memory_space<vmem>> -> memref<128xi32, #tpu.memory_space<vmem>>
      %dma_wait3A_112 = arith.constant 0 : i32
      %dma_wait3A_113 = arith.constant 0 : i32
      %dma_wait3A_114 = tpu.memref_slice %arg2[%dma_wait3A_112, %dma_wait3A_113] : memref<10000x128xf32, #tpu.memory_space<hbm>> -> memref<10000x128xf32, #tpu.memory_space<hbm>>
      tpu.wait_indirect_dma semaphore(%arg12 : memref<!tpu.dma_semaphore, #tpu.memory_space<semaphore_mem>>) src(%dma_wait3A_114 : memref<10000x128xf32, #tpu.memory_space<hbm>>) dst(%arg9 : memref<128x128xf32, #tpu.memory_space<vmem>>)
      "tpu.region"() ({
        %run_scoped3A = tpu.sem_alloc : memref<!tpu.dma_semaphore, #tpu.memory_space<semaphore_mem>>
        %dma_start3A_115 = arith.constant 0 : i32
        %dma_start3A_116 = tpu.memref_slice %arg8[%scan3A_43, %dma_start3A_115] : memref<80x128xi32, #tpu.memory_space<vmem>> -> memref<1x128xi32, #tpu.memory_space<vmem>>
        %dma_start3A_117 = tpu.memref_squeeze %dma_start3A_116 : memref<1x128xi32, #tpu.memory_space<vmem>> -> memref<128xi32, #tpu.memory_space<vmem>>
        %dma_start3A_118 = arith.constant 0 : i32
        %dma_start3A_119 = arith.constant 0 : i32
        %dma_start3A_120 = tpu.memref_slice %arg11[%dma_start3A_118, %dma_start3A_119] : memref<10240x128xf32, #tpu.memory_space<vmem_shared>> -> memref<10240x128xf32, #tpu.memory_space<vmem_shared>>
        tpu.enqueue_indirect_dma source(%arg9 : memref<128x128xf32, #tpu.memory_space<vmem>>) target(%dma_start3A_120 : memref<10240x128xf32, #tpu.memory_space<vmem_shared>>) offsets(%dma_start3A_117 : memref<128xi32, #tpu.memory_space<vmem>>) semaphore(%run_scoped3A : memref<!tpu.dma_semaphore, #tpu.memory_space<semaphore_mem>>) {add = true}
        %dma_wait3A_121 = arith.constant 0 : i32
        %dma_wait3A_122 = tpu.memref_slice %arg8[%scan3A_43, %dma_wait3A_121] : memref<80x128xi32, #tpu.memory_space<vmem>> -> memref<1x128xi32, #tpu.memory_space<vmem>>
        %dma_wait3A_123 = tpu.memref_squeeze %dma_wait3A_122 : memref<1x128xi32, #tpu.memory_space<vmem>> -> memref<128xi32, #tpu.memory_space<vmem>>
        %dma_wait3A_124 = arith.constant 0 : i32
        %dma_wait3A_125 = arith.constant 0 : i32
        %dma_wait3A_126 = tpu.memref_slice %arg11[%dma_wait3A_124, %dma_wait3A_125] : memref<10240x128xf32, #tpu.memory_space<vmem_shared>> -> memref<10240x128xf32, #tpu.memory_space<vmem_shared>>
        tpu.wait_indirect_dma semaphore(%run_scoped3A : memref<!tpu.dma_semaphore, #tpu.memory_space<semaphore_mem>>) src(%arg9 : memref<128x128xf32, #tpu.memory_space<vmem>>) dst(%dma_wait3A_126 : memref<10240x128xf32, #tpu.memory_space<vmem_shared>>)
        tpu.yield
      }) : () -> ()
    }
    %scan3A_35 = arith.constant 80 : i32
    %barrier3A_36 = arith.constant 0 : index
    tpu.barrier barrier_id(%barrier3A_36)
    %mul3A_37 = arith.constant 640 : i32
    %mul3A_38 = arith.muli %arg1, %mul3A_37 : i32
    %mul3A_39 = arith.constant 640 : i32
    %mul3A_40 = arith.muli %arg1, %mul3A_39 : i32
    "tpu.region"() ({
      %run_scoped3A = tpu.sem_alloc : memref<!tpu.dma_semaphore, #tpu.memory_space<semaphore_mem>>
      %dma_start3A = arith.constant 0 : i32
      %dma_start3A_43 = tpu.memref_slice %arg5[%arg0, %mul3A_40, %dma_start3A] : memref<2x10240x128xf32, #tpu.memory_space<hbm>> -> memref<1x640x128xf32, #tpu.memory_space<hbm>>
      %dma_start3A_44 = tpu.memref_squeeze %dma_start3A_43 : memref<1x640x128xf32, #tpu.memory_space<hbm>> -> memref<640x128xf32, #tpu.memory_space<hbm>>
      %dma_start3A_45 = arith.constant 0 : i32
      %dma_start3A_46 = tpu.memref_slice %arg11[%mul3A_38, %dma_start3A_45] : memref<10240x128xf32, #tpu.memory_space<vmem_shared>> -> memref<640x128xf32, #tpu.memory_space<vmem_shared>>
      tpu.enqueue_dma source(%dma_start3A_46 : memref<640x128xf32, #tpu.memory_space<vmem_shared>>) target(%dma_start3A_44 : memref<640x128xf32, #tpu.memory_space<hbm>>) target_semaphore(%run_scoped3A : memref<!tpu.dma_semaphore, #tpu.memory_space<semaphore_mem>>)
      %dma_wait3A = arith.constant 0 : i32
      %dma_wait3A_47 = tpu.memref_slice %arg5[%arg0, %mul3A_40, %dma_wait3A] : memref<2x10240x128xf32, #tpu.memory_space<hbm>> -> memref<1x640x128xf32, #tpu.memory_space<hbm>>
      %dma_wait3A_48 = tpu.memref_squeeze %dma_wait3A_47 : memref<1x640x128xf32, #tpu.memory_space<hbm>> -> memref<640x128xf32, #tpu.memory_space<hbm>>
      %dma_wait3A_49 = arith.constant 0 : i32
      %dma_wait3A_50 = tpu.memref_slice %arg11[%mul3A_38, %dma_wait3A_49] : memref<10240x128xf32, #tpu.memory_space<vmem_shared>> -> memref<640x128xf32, #tpu.memory_space<vmem_shared>>
      tpu.wait_dma2 semaphore(%run_scoped3A : memref<!tpu.dma_semaphore, #tpu.memory_space<semaphore_mem>>) src(%dma_wait3A_50 : memref<640x128xf32, #tpu.memory_space<vmem_shared>>) dst(%dma_wait3A_48 : memref<640x128xf32, #tpu.memory_space<hbm>>)
      tpu.yield
    }) : () -> ()
    %mul3A_41 = arith.constant 10240 : i32
    %mul3A_42 = arith.muli %add3A, %mul3A_41 : i32
    "tpu.region"() ({
      %run_scoped3A = tpu.sem_alloc : memref<!tpu.dma_semaphore, #tpu.memory_space<semaphore_mem>>
      %dma_start3A = tpu.memref_slice %arg6[%mul3A_42] : memref<327680xf32, #tpu.memory_space<hbm>> -> memref<10240xf32, #tpu.memory_space<hbm>>
      %dma_start3A_43 = tpu.memref_slice %arg6[%mul3A_42] : memref<327680xf32, #tpu.memory_space<hbm>> -> memref<10240xf32, #tpu.memory_space<hbm>>
      tpu.enqueue_dma source(%arg10 : memref<10240xf32, #tpu.memory_space<vmem>>) target(%dma_start3A_43 : memref<10240xf32, #tpu.memory_space<hbm>>) target_semaphore(%run_scoped3A : memref<!tpu.dma_semaphore, #tpu.memory_space<semaphore_mem>>)
      %dma_wait3A = tpu.memref_slice %arg6[%mul3A_42] : memref<327680xf32, #tpu.memory_space<hbm>> -> memref<10240xf32, #tpu.memory_space<hbm>>
      %dma_wait3A_44 = tpu.memref_slice %arg6[%mul3A_42] : memref<327680xf32, #tpu.memory_space<hbm>> -> memref<10240xf32, #tpu.memory_space<hbm>>
      tpu.wait_dma2 semaphore(%run_scoped3A : memref<!tpu.dma_semaphore, #tpu.memory_space<semaphore_mem>>) src(%arg10 : memref<10240xf32, #tpu.memory_space<vmem>>) dst(%dma_wait3A_44 : memref<10240xf32, #tpu.memory_space<hbm>>)
      tpu.yield
    }) : () -> ()
    return
  }
}

#map = affine_map<(d0, d1) -> (0, 0)>
#map1 = affine_map<(d0, d1) -> (0, 0, 0)>
#map2 = affine_map<(d0, d1) -> (0)>
module attributes {stable_mosaic.version = 14 : i64} {
  func.func @_edge_mlp(%arg0: i32, %arg1: i32, %arg2: memref<10240x128xf32, #tpu.memory_space<hbm>>, %arg3: memref<32x80x128xi32, #tpu.memory_space<hbm>>, %arg4: memref<32x80x128xi32, #tpu.memory_space<hbm>>, %arg5: memref<64xf32, #tpu.memory_space<hbm>>, %arg6: memref<16xf32, #tpu.memory_space<hbm>>, %arg7: memref<320000xf32, #tpu.memory_space<hbm>>, %arg8: memref<80x128xi32, #tpu.memory_space<vmem>>, %arg9: memref<80x128xi32, #tpu.memory_space<vmem>>, %arg10: memref<128x128xf32, #tpu.memory_space<vmem>>, %arg11: memref<128x128xf32, #tpu.memory_space<vmem>>, %arg12: memref<128x128xf32, #tpu.memory_space<vmem>>, %arg13: memref<128x128xf32, #tpu.memory_space<vmem>>, %arg14: memref<128xf32, #tpu.memory_space<vmem>>, %arg15: memref<64xf32, #tpu.memory_space<vmem>>, %arg16: memref<16xf32, #tpu.memory_space<vmem>>, %arg17: memref<!tpu.dma_semaphore, #tpu.memory_space<semaphore_mem>>, %arg18: memref<!tpu.dma_semaphore, #tpu.memory_space<semaphore_mem>>) attributes {dimension_semantics = [#tpu.dimension_semantics<core_parallel>, #tpu.dimension_semantics<subcore_parallel>], iteration_bounds = array<i64: 2, 16>, scalar_prefetch = 0 : i64, scratch_operands = 11 : i64, tpu.core_type = #tpu.core_type<sc_vector_subcore>, window_params = [{transform_indices = #map}, {transform_indices = #map1}, {transform_indices = #map1}, {transform_indices = #map2}, {transform_indices = #map2}, {transform_indices = #map2}]} {
    %mul3A = arith.constant 2 : i32
    %mul3A_0 = arith.muli %arg1, %mul3A : i32
    %add3A = arith.addi %mul3A_0, %arg0 : i32
    "tpu.region"() ({
      %run_scoped3A = tpu.sem_alloc : memref<!tpu.dma_semaphore, #tpu.memory_space<semaphore_mem>>
      %dma_start3A_29 = arith.constant 0 : i32
      %dma_start3A_30 = arith.constant 0 : i32
      %dma_start3A_31 = tpu.memref_slice %arg3[%add3A, %dma_start3A_29, %dma_start3A_30] : memref<32x80x128xi32, #tpu.memory_space<hbm>> -> memref<1x80x128xi32, #tpu.memory_space<hbm>>
      %dma_start3A_32 = tpu.memref_squeeze %dma_start3A_31 : memref<1x80x128xi32, #tpu.memory_space<hbm>> -> memref<80x128xi32, #tpu.memory_space<hbm>>
      %dma_start3A_33 = arith.constant 0 : i32
      %dma_start3A_34 = arith.constant 0 : i32
      %dma_start3A_35 = tpu.memref_slice %arg3[%add3A, %dma_start3A_33, %dma_start3A_34] : memref<32x80x128xi32, #tpu.memory_space<hbm>> -> memref<1x80x128xi32, #tpu.memory_space<hbm>>
      %dma_start3A_36 = tpu.memref_squeeze %dma_start3A_35 : memref<1x80x128xi32, #tpu.memory_space<hbm>> -> memref<80x128xi32, #tpu.memory_space<hbm>>
      tpu.enqueue_dma source(%dma_start3A_36 : memref<80x128xi32, #tpu.memory_space<hbm>>) target(%arg8 : memref<80x128xi32, #tpu.memory_space<vmem>>) target_semaphore(%run_scoped3A : memref<!tpu.dma_semaphore, #tpu.memory_space<semaphore_mem>>)
      %dma_wait3A = arith.constant 0 : i32
      %dma_wait3A_37 = arith.constant 0 : i32
      %dma_wait3A_38 = tpu.memref_slice %arg3[%add3A, %dma_wait3A, %dma_wait3A_37] : memref<32x80x128xi32, #tpu.memory_space<hbm>> -> memref<1x80x128xi32, #tpu.memory_space<hbm>>
      %dma_wait3A_39 = tpu.memref_squeeze %dma_wait3A_38 : memref<1x80x128xi32, #tpu.memory_space<hbm>> -> memref<80x128xi32, #tpu.memory_space<hbm>>
      %dma_wait3A_40 = arith.constant 0 : i32
      %dma_wait3A_41 = arith.constant 0 : i32
      %dma_wait3A_42 = tpu.memref_slice %arg3[%add3A, %dma_wait3A_40, %dma_wait3A_41] : memref<32x80x128xi32, #tpu.memory_space<hbm>> -> memref<1x80x128xi32, #tpu.memory_space<hbm>>
      %dma_wait3A_43 = tpu.memref_squeeze %dma_wait3A_42 : memref<1x80x128xi32, #tpu.memory_space<hbm>> -> memref<80x128xi32, #tpu.memory_space<hbm>>
      tpu.wait_dma2 semaphore(%run_scoped3A : memref<!tpu.dma_semaphore, #tpu.memory_space<semaphore_mem>>) src(%dma_wait3A_43 : memref<80x128xi32, #tpu.memory_space<hbm>>) dst(%arg8 : memref<80x128xi32, #tpu.memory_space<vmem>>)
      tpu.yield
    }) : () -> ()
    "tpu.region"() ({
      %run_scoped3A = tpu.sem_alloc : memref<!tpu.dma_semaphore, #tpu.memory_space<semaphore_mem>>
      %dma_start3A_29 = arith.constant 0 : i32
      %dma_start3A_30 = arith.constant 0 : i32
      %dma_start3A_31 = tpu.memref_slice %arg4[%add3A, %dma_start3A_29, %dma_start3A_30] : memref<32x80x128xi32, #tpu.memory_space<hbm>> -> memref<1x80x128xi32, #tpu.memory_space<hbm>>
      %dma_start3A_32 = tpu.memref_squeeze %dma_start3A_31 : memref<1x80x128xi32, #tpu.memory_space<hbm>> -> memref<80x128xi32, #tpu.memory_space<hbm>>
      %dma_start3A_33 = arith.constant 0 : i32
      %dma_start3A_34 = arith.constant 0 : i32
      %dma_start3A_35 = tpu.memref_slice %arg4[%add3A, %dma_start3A_33, %dma_start3A_34] : memref<32x80x128xi32, #tpu.memory_space<hbm>> -> memref<1x80x128xi32, #tpu.memory_space<hbm>>
      %dma_start3A_36 = tpu.memref_squeeze %dma_start3A_35 : memref<1x80x128xi32, #tpu.memory_space<hbm>> -> memref<80x128xi32, #tpu.memory_space<hbm>>
      tpu.enqueue_dma source(%dma_start3A_36 : memref<80x128xi32, #tpu.memory_space<hbm>>) target(%arg9 : memref<80x128xi32, #tpu.memory_space<vmem>>) target_semaphore(%run_scoped3A : memref<!tpu.dma_semaphore, #tpu.memory_space<semaphore_mem>>)
      %dma_wait3A = arith.constant 0 : i32
      %dma_wait3A_37 = arith.constant 0 : i32
      %dma_wait3A_38 = tpu.memref_slice %arg4[%add3A, %dma_wait3A, %dma_wait3A_37] : memref<32x80x128xi32, #tpu.memory_space<hbm>> -> memref<1x80x128xi32, #tpu.memory_space<hbm>>
      %dma_wait3A_39 = tpu.memref_squeeze %dma_wait3A_38 : memref<1x80x128xi32, #tpu.memory_space<hbm>> -> memref<80x128xi32, #tpu.memory_space<hbm>>
      %dma_wait3A_40 = arith.constant 0 : i32
      %dma_wait3A_41 = arith.constant 0 : i32
      %dma_wait3A_42 = tpu.memref_slice %arg4[%add3A, %dma_wait3A_40, %dma_wait3A_41] : memref<32x80x128xi32, #tpu.memory_space<hbm>> -> memref<1x80x128xi32, #tpu.memory_space<hbm>>
      %dma_wait3A_43 = tpu.memref_squeeze %dma_wait3A_42 : memref<1x80x128xi32, #tpu.memory_space<hbm>> -> memref<80x128xi32, #tpu.memory_space<hbm>>
      tpu.wait_dma2 semaphore(%run_scoped3A : memref<!tpu.dma_semaphore, #tpu.memory_space<semaphore_mem>>) src(%dma_wait3A_43 : memref<80x128xi32, #tpu.memory_space<hbm>>) dst(%arg9 : memref<80x128xi32, #tpu.memory_space<vmem>>)
      tpu.yield
    }) : () -> ()
    "tpu.region"() ({
      %run_scoped3A = tpu.sem_alloc : memref<!tpu.dma_semaphore, #tpu.memory_space<semaphore_mem>>
      tpu.enqueue_dma source(%arg5 : memref<64xf32, #tpu.memory_space<hbm>>) target(%arg15 : memref<64xf32, #tpu.memory_space<vmem>>) target_semaphore(%run_scoped3A : memref<!tpu.dma_semaphore, #tpu.memory_space<semaphore_mem>>)
      tpu.wait_dma2 semaphore(%run_scoped3A : memref<!tpu.dma_semaphore, #tpu.memory_space<semaphore_mem>>) src(%arg5 : memref<64xf32, #tpu.memory_space<hbm>>) dst(%arg15 : memref<64xf32, #tpu.memory_space<vmem>>)
      tpu.yield
    }) : () -> ()
    "tpu.region"() ({
      %run_scoped3A = tpu.sem_alloc : memref<!tpu.dma_semaphore, #tpu.memory_space<semaphore_mem>>
      tpu.enqueue_dma source(%arg6 : memref<16xf32, #tpu.memory_space<hbm>>) target(%arg16 : memref<16xf32, #tpu.memory_space<vmem>>) target_semaphore(%run_scoped3A : memref<!tpu.dma_semaphore, #tpu.memory_space<semaphore_mem>>)
      tpu.wait_dma2 semaphore(%run_scoped3A : memref<!tpu.dma_semaphore, #tpu.memory_space<semaphore_mem>>) src(%arg6 : memref<16xf32, #tpu.memory_space<hbm>>) dst(%arg16 : memref<16xf32, #tpu.memory_space<vmem>>)
      tpu.yield
    }) : () -> ()
    %get3A = arith.constant 0 : index
    %get3A_1 = tpu.vector_load %arg15[%get3A] {strides = array<i32>} : memref<64xf32, #tpu.memory_space<vmem>>, vector<16xf32>,
    %get3A_2 = arith.constant 16 : index
    %get3A_3 = tpu.vector_load %arg15[%get3A_2] {strides = array<i32>} : memref<64xf32, #tpu.memory_space<vmem>>, vector<16xf32>,
    %get3A_4 = arith.constant 32 : index
    %get3A_5 = tpu.vector_load %arg15[%get3A_4] {strides = array<i32>} : memref<64xf32, #tpu.memory_space<vmem>>, vector<16xf32>,
    %get3A_6 = arith.constant 48 : index
    %get3A_7 = tpu.vector_load %arg15[%get3A_6] {strides = array<i32>} : memref<64xf32, #tpu.memory_space<vmem>>, vector<16xf32>,
    %get3A_8 = arith.constant 0 : index
    %get3A_9 = tpu.vector_load %arg16[%get3A_8] {strides = array<i32>} : memref<16xf32, #tpu.memory_space<vmem>>, vector<16xf32>,
    %iota3A = tpu.iota {dimensions = array<i32: 0>} : vector<16xi32>
    %eq3A = arith.constant 0 : i32
    %eq3A_10 = vector.broadcast %eq3A : i32 to vector<16xi32>
    %eq3A_11 = arith.cmpi eq, %iota3A, %eq3A_10 : vector<16xi32>
    %dma_start3A = arith.constant 0 : i32
    %dma_start3A_12 = arith.constant 0 : i32
    %dma_start3A_13 = tpu.memref_slice %arg8[%dma_start3A, %dma_start3A_12] : memref<80x128xi32, #tpu.memory_space<vmem>> -> memref<1x128xi32, #tpu.memory_space<vmem>>
    %dma_start3A_14 = tpu.memref_squeeze %dma_start3A_13 : memref<1x128xi32, #tpu.memory_space<vmem>> -> memref<128xi32, #tpu.memory_space<vmem>>
    %dma_start3A_15 = arith.constant 0 : i32
    %dma_start3A_16 = arith.constant 0 : i32
    %dma_start3A_17 = tpu.memref_slice %arg2[%dma_start3A_15, %dma_start3A_16] : memref<10240x128xf32, #tpu.memory_space<hbm>> -> memref<10240x128xf32, #tpu.memory_space<hbm>>
    tpu.enqueue_indirect_dma source(%dma_start3A_17 : memref<10240x128xf32, #tpu.memory_space<hbm>>) target(%arg10 : memref<128x128xf32, #tpu.memory_space<vmem>>) offsets(%dma_start3A_14 : memref<128xi32, #tpu.memory_space<vmem>>) semaphore(%arg17 : memref<!tpu.dma_semaphore, #tpu.memory_space<semaphore_mem>>)
    %dma_start3A_18 = arith.constant 0 : i32
    %dma_start3A_19 = arith.constant 0 : i32
    %dma_start3A_20 = tpu.memref_slice %arg9[%dma_start3A_18, %dma_start3A_19] : memref<80x128xi32, #tpu.memory_space<vmem>> -> memref<1x128xi32, #tpu.memory_space<vmem>>
    %dma_start3A_21 = tpu.memref_squeeze %dma_start3A_20 : memref<1x128xi32, #tpu.memory_space<vmem>> -> memref<128xi32, #tpu.memory_space<vmem>>
    %dma_start3A_22 = arith.constant 0 : i32
    %dma_start3A_23 = arith.constant 0 : i32
    %dma_start3A_24 = tpu.memref_slice %arg2[%dma_start3A_22, %dma_start3A_23] : memref<10240x128xf32, #tpu.memory_space<hbm>> -> memref<10240x128xf32, #tpu.memory_space<hbm>>
    tpu.enqueue_indirect_dma source(%dma_start3A_24 : memref<10240x128xf32, #tpu.memory_space<hbm>>) target(%arg11 : memref<128x128xf32, #tpu.memory_space<vmem>>) offsets(%dma_start3A_21 : memref<128xi32, #tpu.memory_space<vmem>>) semaphore(%arg17 : memref<!tpu.dma_semaphore, #tpu.memory_space<semaphore_mem>>)
    %scan3A = arith.constant 0 : i32
    %scan3A_25 = arith.constant 40 : i32
    %scan3A_26 = arith.addi %scan3A, %scan3A_25 : i32
    %scan3A_27 = arith.constant 1 : i32
    scf.for %scan3A_29 = %scan3A to %scan3A_26 step %scan3A_27  : i32 {
      %mul3A_30 = arith.constant 2 : i32
      %mul3A_31 = arith.muli %mul3A_30, %scan3A_29 : i32
      %add3A_32 = arith.constant 1 : i32
      %add3A_33 = arith.addi %mul3A_31, %add3A_32 : i32
      %dma_wait3A = arith.constant 0 : i32
      %dma_wait3A_34 = tpu.memref_slice %arg8[%mul3A_31, %dma_wait3A] : memref<80x128xi32, #tpu.memory_space<vmem>> -> memref<1x128xi32, #tpu.memory_space<vmem>>
      %dma_wait3A_35 = tpu.memref_squeeze %dma_wait3A_34 : memref<1x128xi32, #tpu.memory_space<vmem>> -> memref<128xi32, #tpu.memory_space<vmem>>
      %dma_wait3A_36 = arith.constant 0 : i32
      %dma_wait3A_37 = arith.constant 0 : i32
      %dma_wait3A_38 = tpu.memref_slice %arg2[%dma_wait3A_36, %dma_wait3A_37] : memref<10240x128xf32, #tpu.memory_space<hbm>> -> memref<10240x128xf32, #tpu.memory_space<hbm>>
      tpu.wait_indirect_dma semaphore(%arg17 : memref<!tpu.dma_semaphore, #tpu.memory_space<semaphore_mem>>) src(%dma_wait3A_38 : memref<10240x128xf32, #tpu.memory_space<hbm>>) dst(%arg10 : memref<128x128xf32, #tpu.memory_space<vmem>>)
      %dma_wait3A_39 = arith.constant 0 : i32
      %dma_wait3A_40 = tpu.memref_slice %arg9[%mul3A_31, %dma_wait3A_39] : memref<80x128xi32, #tpu.memory_space<vmem>> -> memref<1x128xi32, #tpu.memory_space<vmem>>
      %dma_wait3A_41 = tpu.memref_squeeze %dma_wait3A_40 : memref<1x128xi32, #tpu.memory_space<vmem>> -> memref<128xi32, #tpu.memory_space<vmem>>
      %dma_wait3A_42 = arith.constant 0 : i32
      %dma_wait3A_43 = arith.constant 0 : i32
      %dma_wait3A_44 = tpu.memref_slice %arg2[%dma_wait3A_42, %dma_wait3A_43] : memref<10240x128xf32, #tpu.memory_space<hbm>> -> memref<10240x128xf32, #tpu.memory_space<hbm>>
      tpu.wait_indirect_dma semaphore(%arg17 : memref<!tpu.dma_semaphore, #tpu.memory_space<semaphore_mem>>) src(%dma_wait3A_44 : memref<10240x128xf32, #tpu.memory_space<hbm>>) dst(%arg11 : memref<128x128xf32, #tpu.memory_space<vmem>>)
      %dma_start3A_45 = arith.constant 0 : i32
      %dma_start3A_46 = tpu.memref_slice %arg8[%add3A_33, %dma_start3A_45] : memref<80x128xi32, #tpu.memory_space<vmem>> -> memref<1x128xi32, #tpu.memory_space<vmem>>
      %dma_start3A_47 = tpu.memref_squeeze %dma_start3A_46 : memref<1x128xi32, #tpu.memory_space<vmem>> -> memref<128xi32, #tpu.memory_space<vmem>>
      %dma_start3A_48 = arith.constant 0 : i32
      %dma_start3A_49 = arith.constant 0 : i32
      %dma_start3A_50 = tpu.memref_slice %arg2[%dma_start3A_48, %dma_start3A_49] : memref<10240x128xf32, #tpu.memory_space<hbm>> -> memref<10240x128xf32, #tpu.memory_space<hbm>>
      tpu.enqueue_indirect_dma source(%dma_start3A_50 : memref<10240x128xf32, #tpu.memory_space<hbm>>) target(%arg12 : memref<128x128xf32, #tpu.memory_space<vmem>>) offsets(%dma_start3A_47 : memref<128xi32, #tpu.memory_space<vmem>>) semaphore(%arg18 : memref<!tpu.dma_semaphore, #tpu.memory_space<semaphore_mem>>)
      %dma_start3A_51 = arith.constant 0 : i32
      %dma_start3A_52 = tpu.memref_slice %arg9[%add3A_33, %dma_start3A_51] : memref<80x128xi32, #tpu.memory_space<vmem>> -> memref<1x128xi32, #tpu.memory_space<vmem>>
      %dma_start3A_53 = tpu.memref_squeeze %dma_start3A_52 : memref<1x128xi32, #tpu.memory_space<vmem>> -> memref<128xi32, #tpu.memory_space<vmem>>
      %dma_start3A_54 = arith.constant 0 : i32
      %dma_start3A_55 = arith.constant 0 : i32
      %dma_start3A_56 = tpu.memref_slice %arg2[%dma_start3A_54, %dma_start3A_55] : memref<10240x128xf32, #tpu.memory_space<hbm>> -> memref<10240x128xf32, #tpu.memory_space<hbm>>
      tpu.enqueue_indirect_dma source(%dma_start3A_56 : memref<10240x128xf32, #tpu.memory_space<hbm>>) target(%arg13 : memref<128x128xf32, #tpu.memory_space<vmem>>) offsets(%dma_start3A_53 : memref<128xi32, #tpu.memory_space<vmem>>) semaphore(%arg18 : memref<!tpu.dma_semaphore, #tpu.memory_space<semaphore_mem>>)
      %scan3A_57 = arith.constant 0 : i32
      %scan3A_58 = arith.constant 16 : i32
      %scan3A_59 = arith.addi %scan3A_57, %scan3A_58 : i32
      %scan3A_60 = arith.constant 1 : i32
      scf.for %scan3A_103 = %scan3A_57 to %scan3A_59 step %scan3A_60  : i32 {
        %mul3A_104 = arith.constant 8 : i32
        %mul3A_105 = arith.muli %scan3A_103, %mul3A_104 : i32
        %add3A_106 = arith.constant 0 : i32
        %add3A_107 = arith.addi %mul3A_105, %add3A_106 : i32
        %get3A_108 = arith.index_cast %add3A_107 : i32 to index
        %get3A_109 = arith.constant 0 : index
        %get3A_110 = tpu.vector_load %arg10[%get3A_108, %get3A_109] {strides = array<i32>} : memref<128x128xf32, #tpu.memory_space<vmem>>, vector<16xf32>,
        %get3A_111 = arith.index_cast %add3A_107 : i32 to index
        %get3A_112 = arith.constant 64 : index
        %get3A_113 = tpu.vector_load %arg11[%get3A_111, %get3A_112] {strides = array<i32>} : memref<128x128xf32, #tpu.memory_space<vmem>>, vector<16xf32>,
        %add3A_114 = arith.addf %get3A_110, %get3A_113 : vector<16xf32>
        %max3A = arith.constant 0.000000e+00 : f32
        %max3A_115 = vector.broadcast %max3A : f32 to vector<16xf32>
        %max3A_116 = arith.maximumf %add3A_114, %max3A_115 : vector<16xf32>
        %mul3A_117 = arith.mulf %max3A_116, %get3A_1 : vector<16xf32>
        %add3A_118 = arith.addf %get3A_9, %mul3A_117 : vector<16xf32>
        %get3A_119 = arith.index_cast %add3A_107 : i32 to index
        %get3A_120 = arith.constant 16 : index
        %get3A_121 = tpu.vector_load %arg10[%get3A_119, %get3A_120] {strides = array<i32>} : memref<128x128xf32, #tpu.memory_space<vmem>>, vector<16xf32>,
        %get3A_122 = arith.index_cast %add3A_107 : i32 to index
        %get3A_123 = arith.constant 80 : index
        %get3A_124 = tpu.vector_load %arg11[%get3A_122, %get3A_123] {strides = array<i32>} : memref<128x128xf32, #tpu.memory_space<vmem>>, vector<16xf32>,
        %add3A_125 = arith.addf %get3A_121, %get3A_124 : vector<16xf32>
        %max3A_126 = arith.constant 0.000000e+00 : f32
        %max3A_127 = vector.broadcast %max3A_126 : f32 to vector<16xf32>
        %max3A_128 = arith.maximumf %add3A_125, %max3A_127 : vector<16xf32>
        %mul3A_129 = arith.mulf %max3A_128, %get3A_3 : vector<16xf32>
        %add3A_130 = arith.addf %add3A_118, %mul3A_129 : vector<16xf32>
        %get3A_131 = arith.index_cast %add3A_107 : i32 to index
        %get3A_132 = arith.constant 32 : index
        %get3A_133 = tpu.vector_load %arg10[%get3A_131, %get3A_132] {strides = array<i32>} : memref<128x128xf32, #tpu.memory_space<vmem>>, vector<16xf32>,
        %get3A_134 = arith.index_cast %add3A_107 : i32 to index
        %get3A_135 = arith.constant 96 : index
        %get3A_136 = tpu.vector_load %arg11[%get3A_134, %get3A_135] {strides = array<i32>} : memref<128x128xf32, #tpu.memory_space<vmem>>, vector<16xf32>,
        %add3A_137 = arith.addf %get3A_133, %get3A_136 : vector<16xf32>
        %max3A_138 = arith.constant 0.000000e+00 : f32
        %max3A_139 = vector.broadcast %max3A_138 : f32 to vector<16xf32>
        %max3A_140 = arith.maximumf %add3A_137, %max3A_139 : vector<16xf32>
        %mul3A_141 = arith.mulf %max3A_140, %get3A_5 : vector<16xf32>
        %add3A_142 = arith.addf %add3A_130, %mul3A_141 : vector<16xf32>
        %get3A_143 = arith.index_cast %add3A_107 : i32 to index
        %get3A_144 = arith.constant 48 : index
        %get3A_145 = tpu.vector_load %arg10[%get3A_143, %get3A_144] {strides = array<i32>} : memref<128x128xf32, #tpu.memory_space<vmem>>, vector<16xf32>,
        %get3A_146 = arith.index_cast %add3A_107 : i32 to index
        %get3A_147 = arith.constant 112 : index
        %get3A_148 = tpu.vector_load %arg11[%get3A_146, %get3A_147] {strides = array<i32>} : memref<128x128xf32, #tpu.memory_space<vmem>>, vector<16xf32>,
        %add3A_149 = arith.addf %get3A_145, %get3A_148 : vector<16xf32>
        %max3A_150 = arith.constant 0.000000e+00 : f32
        %max3A_151 = vector.broadcast %max3A_150 : f32 to vector<16xf32>
        %max3A_152 = arith.maximumf %add3A_149, %max3A_151 : vector<16xf32>
        %mul3A_153 = arith.mulf %max3A_152, %get3A_7 : vector<16xf32>
        %add3A_154 = arith.addf %add3A_142, %mul3A_153 : vector<16xf32>
        %reduce_sum3A = arith.constant true
        %reduce_sum3A_155 = vector.broadcast %reduce_sum3A : i1 to vector<16xi1>
        %reduce_sum3A_156 = tpu.scan <sum>, %add3A_154 masked %reduce_sum3A_155 : vector<16xf32>, vector<16xi1> -> vector<16xf32>
        %reduce_sum3A_157 = vector.extract %reduce_sum3A_156[15] : f32 from vector<16xf32>
        %broadcast_in_dim3A = vector.broadcast %add3A_107 : i32 to vector<16xi32>
        %broadcast_in_dim3A_158 = vector.broadcast %reduce_sum3A_157 : f32 to vector<16xf32>
        tpu.vector_store_idx %arg14[%broadcast_in_dim3A], %broadcast_in_dim3A_158 masked %eq3A_11 : memref<128xf32, #tpu.memory_space<vmem>>[vector<16xi32>], vector<16xf32>, vector<16xi1>
        %add3A_159 = arith.constant 1 : i32
        %add3A_160 = arith.addi %mul3A_105, %add3A_159 : i32
        %get3A_161 = arith.index_cast %add3A_160 : i32 to index
        %get3A_162 = arith.constant 0 : index
        %get3A_163 = tpu.vector_load %arg10[%get3A_161, %get3A_162] {strides = array<i32>} : memref<128x128xf32, #tpu.memory_space<vmem>>, vector<16xf32>,
        %get3A_164 = arith.index_cast %add3A_160 : i32 to index
        %get3A_165 = arith.constant 64 : index
        %get3A_166 = tpu.vector_load %arg11[%get3A_164, %get3A_165] {strides = array<i32>} : memref<128x128xf32, #tpu.memory_space<vmem>>, vector<16xf32>,
        %add3A_167 = arith.addf %get3A_163, %get3A_166 : vector<16xf32>
        %max3A_168 = arith.constant 0.000000e+00 : f32
        %max3A_169 = vector.broadcast %max3A_168 : f32 to vector<16xf32>
        %max3A_170 = arith.maximumf %add3A_167, %max3A_169 : vector<16xf32>
        %mul3A_171 = arith.mulf %max3A_170, %get3A_1 : vector<16xf32>
        %add3A_172 = arith.addf %get3A_9, %mul3A_171 : vector<16xf32>
        %get3A_173 = arith.index_cast %add3A_160 : i32 to index
        %get3A_174 = arith.constant 16 : index
        %get3A_175 = tpu.vector_load %arg10[%get3A_173, %get3A_174] {strides = array<i32>} : memref<128x128xf32, #tpu.memory_space<vmem>>, vector<16xf32>,
        %get3A_176 = arith.index_cast %add3A_160 : i32 to index
        %get3A_177 = arith.constant 80 : index
        %get3A_178 = tpu.vector_load %arg11[%get3A_176, %get3A_177] {strides = array<i32>} : memref<128x128xf32, #tpu.memory_space<vmem>>, vector<16xf32>,
        %add3A_179 = arith.addf %get3A_175, %get3A_178 : vector<16xf32>
        %max3A_180 = arith.constant 0.000000e+00 : f32
        %max3A_181 = vector.broadcast %max3A_180 : f32 to vector<16xf32>
        %max3A_182 = arith.maximumf %add3A_179, %max3A_181 : vector<16xf32>
        %mul3A_183 = arith.mulf %max3A_182, %get3A_3 : vector<16xf32>
        %add3A_184 = arith.addf %add3A_172, %mul3A_183 : vector<16xf32>
        %get3A_185 = arith.index_cast %add3A_160 : i32 to index
        %get3A_186 = arith.constant 32 : index
        %get3A_187 = tpu.vector_load %arg10[%get3A_185, %get3A_186] {strides = array<i32>} : memref<128x128xf32, #tpu.memory_space<vmem>>, vector<16xf32>,
        %get3A_188 = arith.index_cast %add3A_160 : i32 to index
        %get3A_189 = arith.constant 96 : index
        %get3A_190 = tpu.vector_load %arg11[%get3A_188, %get3A_189] {strides = array<i32>} : memref<128x128xf32, #tpu.memory_space<vmem>>, vector<16xf32>,
        %add3A_191 = arith.addf %get3A_187, %get3A_190 : vector<16xf32>
        %max3A_192 = arith.constant 0.000000e+00 : f32
        %max3A_193 = vector.broadcast %max3A_192 : f32 to vector<16xf32>
        %max3A_194 = arith.maximumf %add3A_191, %max3A_193 : vector<16xf32>
        %mul3A_195 = arith.mulf %max3A_194, %get3A_5 : vector<16xf32>
        %add3A_196 = arith.addf %add3A_184, %mul3A_195 : vector<16xf32>
        %get3A_197 = arith.index_cast %add3A_160 : i32 to index
        %get3A_198 = arith.constant 48 : index
        %get3A_199 = tpu.vector_load %arg10[%get3A_197, %get3A_198] {strides = array<i32>} : memref<128x128xf32, #tpu.memory_space<vmem>>, vector<16xf32>,
        %get3A_200 = arith.index_cast %add3A_160 : i32 to index
        %get3A_201 = arith.constant 112 : index
        %get3A_202 = tpu.vector_load %arg11[%get3A_200, %get3A_201] {strides = array<i32>} : memref<128x128xf32, #tpu.memory_space<vmem>>, vector<16xf32>,
        %add3A_203 = arith.addf %get3A_199, %get3A_202 : vector<16xf32>
        %max3A_204 = arith.constant 0.000000e+00 : f32
        %max3A_205 = vector.broadcast %max3A_204 : f32 to vector<16xf32>
        %max3A_206 = arith.maximumf %add3A_203, %max3A_205 : vector<16xf32>
        %mul3A_207 = arith.mulf %max3A_206, %get3A_7 : vector<16xf32>
        %add3A_208 = arith.addf %add3A_196, %mul3A_207 : vector<16xf32>
        %reduce_sum3A_209 = arith.constant true
        %reduce_sum3A_210 = vector.broadcast %reduce_sum3A_209 : i1 to vector<16xi1>
        %reduce_sum3A_211 = tpu.scan <sum>, %add3A_208 masked %reduce_sum3A_210 : vector<16xf32>, vector<16xi1> -> vector<16xf32>
        %reduce_sum3A_212 = vector.extract %reduce_sum3A_211[15] : f32 from vector<16xf32>
        %broadcast_in_dim3A_213 = vector.broadcast %add3A_160 : i32 to vector<16xi32>
        %broadcast_in_dim3A_214 = vector.broadcast %reduce_sum3A_212 : f32 to vector<16xf32>
        tpu.vector_store_idx %arg14[%broadcast_in_dim3A_213], %broadcast_in_dim3A_214 masked %eq3A_11 : memref<128xf32, #tpu.memory_space<vmem>>[vector<16xi32>], vector<16xf32>, vector<16xi1>
        %add3A_215 = arith.constant 2 : i32
        %add3A_216 = arith.addi %mul3A_105, %add3A_215 : i32
        %get3A_217 = arith.index_cast %add3A_216 : i32 to index
        %get3A_218 = arith.constant 0 : index
        %get3A_219 = tpu.vector_load %arg10[%get3A_217, %get3A_218] {strides = array<i32>} : memref<128x128xf32, #tpu.memory_space<vmem>>, vector<16xf32>,
        %get3A_220 = arith.index_cast %add3A_216 : i32 to index
        %get3A_221 = arith.constant 64 : index
        %get3A_222 = tpu.vector_load %arg11[%get3A_220, %get3A_221] {strides = array<i32>} : memref<128x128xf32, #tpu.memory_space<vmem>>, vector<16xf32>,
        %add3A_223 = arith.addf %get3A_219, %get3A_222 : vector<16xf32>
        %max3A_224 = arith.constant 0.000000e+00 : f32
        %max3A_225 = vector.broadcast %max3A_224 : f32 to vector<16xf32>
        %max3A_226 = arith.maximumf %add3A_223, %max3A_225 : vector<16xf32>
        %mul3A_227 = arith.mulf %max3A_226, %get3A_1 : vector<16xf32>
        %add3A_228 = arith.addf %get3A_9, %mul3A_227 : vector<16xf32>
        %get3A_229 = arith.index_cast %add3A_216 : i32 to index
        %get3A_230 = arith.constant 16 : index
        %get3A_231 = tpu.vector_load %arg10[%get3A_229, %get3A_230] {strides = array<i32>} : memref<128x128xf32, #tpu.memory_space<vmem>>, vector<16xf32>,
        %get3A_232 = arith.index_cast %add3A_216 : i32 to index
        %get3A_233 = arith.constant 80 : index
        %get3A_234 = tpu.vector_load %arg11[%get3A_232, %get3A_233] {strides = array<i32>} : memref<128x128xf32, #tpu.memory_space<vmem>>, vector<16xf32>,
        %add3A_235 = arith.addf %get3A_231, %get3A_234 : vector<16xf32>
        %max3A_236 = arith.constant 0.000000e+00 : f32
        %max3A_237 = vector.broadcast %max3A_236 : f32 to vector<16xf32>
        %max3A_238 = arith.maximumf %add3A_235, %max3A_237 : vector<16xf32>
        %mul3A_239 = arith.mulf %max3A_238, %get3A_3 : vector<16xf32>
        %add3A_240 = arith.addf %add3A_228, %mul3A_239 : vector<16xf32>
        %get3A_241 = arith.index_cast %add3A_216 : i32 to index
        %get3A_242 = arith.constant 32 : index
        %get3A_243 = tpu.vector_load %arg10[%get3A_241, %get3A_242] {strides = array<i32>} : memref<128x128xf32, #tpu.memory_space<vmem>>, vector<16xf32>,
        %get3A_244 = arith.index_cast %add3A_216 : i32 to index
        %get3A_245 = arith.constant 96 : index
        %get3A_246 = tpu.vector_load %arg11[%get3A_244, %get3A_245] {strides = array<i32>} : memref<128x128xf32, #tpu.memory_space<vmem>>, vector<16xf32>,
        %add3A_247 = arith.addf %get3A_243, %get3A_246 : vector<16xf32>
        %max3A_248 = arith.constant 0.000000e+00 : f32
        %max3A_249 = vector.broadcast %max3A_248 : f32 to vector<16xf32>
        %max3A_250 = arith.maximumf %add3A_247, %max3A_249 : vector<16xf32>
        %mul3A_251 = arith.mulf %max3A_250, %get3A_5 : vector<16xf32>
        %add3A_252 = arith.addf %add3A_240, %mul3A_251 : vector<16xf32>
        %get3A_253 = arith.index_cast %add3A_216 : i32 to index
        %get3A_254 = arith.constant 48 : index
        %get3A_255 = tpu.vector_load %arg10[%get3A_253, %get3A_254] {strides = array<i32>} : memref<128x128xf32, #tpu.memory_space<vmem>>, vector<16xf32>,
        %get3A_256 = arith.index_cast %add3A_216 : i32 to index
        %get3A_257 = arith.constant 112 : index
        %get3A_258 = tpu.vector_load %arg11[%get3A_256, %get3A_257] {strides = array<i32>} : memref<128x128xf32, #tpu.memory_space<vmem>>, vector<16xf32>,
        %add3A_259 = arith.addf %get3A_255, %get3A_258 : vector<16xf32>
        %max3A_260 = arith.constant 0.000000e+00 : f32
        %max3A_261 = vector.broadcast %max3A_260 : f32 to vector<16xf32>
        %max3A_262 = arith.maximumf %add3A_259, %max3A_261 : vector<16xf32>
        %mul3A_263 = arith.mulf %max3A_262, %get3A_7 : vector<16xf32>
        %add3A_264 = arith.addf %add3A_252, %mul3A_263 : vector<16xf32>
        %reduce_sum3A_265 = arith.constant true
        %reduce_sum3A_266 = vector.broadcast %reduce_sum3A_265 : i1 to vector<16xi1>
        %reduce_sum3A_267 = tpu.scan <sum>, %add3A_264 masked %reduce_sum3A_266 : vector<16xf32>, vector<16xi1> -> vector<16xf32>
        %reduce_sum3A_268 = vector.extract %reduce_sum3A_267[15] : f32 from vector<16xf32>
        %broadcast_in_dim3A_269 = vector.broadcast %add3A_216 : i32 to vector<16xi32>
        %broadcast_in_dim3A_270 = vector.broadcast %reduce_sum3A_268 : f32 to vector<16xf32>
        tpu.vector_store_idx %arg14[%broadcast_in_dim3A_269], %broadcast_in_dim3A_270 masked %eq3A_11 : memref<128xf32, #tpu.memory_space<vmem>>[vector<16xi32>], vector<16xf32>, vector<16xi1>
        %add3A_271 = arith.constant 3 : i32
        %add3A_272 = arith.addi %mul3A_105, %add3A_271 : i32
        %get3A_273 = arith.index_cast %add3A_272 : i32 to index
        %get3A_274 = arith.constant 0 : index
        %get3A_275 = tpu.vector_load %arg10[%get3A_273, %get3A_274] {strides = array<i32>} : memref<128x128xf32, #tpu.memory_space<vmem>>, vector<16xf32>,
        %get3A_276 = arith.index_cast %add3A_272 : i32 to index
        %get3A_277 = arith.constant 64 : index
        %get3A_278 = tpu.vector_load %arg11[%get3A_276, %get3A_277] {strides = array<i32>} : memref<128x128xf32, #tpu.memory_space<vmem>>, vector<16xf32>,
        %add3A_279 = arith.addf %get3A_275, %get3A_278 : vector<16xf32>
        %max3A_280 = arith.constant 0.000000e+00 : f32
        %max3A_281 = vector.broadcast %max3A_280 : f32 to vector<16xf32>
        %max3A_282 = arith.maximumf %add3A_279, %max3A_281 : vector<16xf32>
        %mul3A_283 = arith.mulf %max3A_282, %get3A_1 : vector<16xf32>
        %add3A_284 = arith.addf %get3A_9, %mul3A_283 : vector<16xf32>
        %get3A_285 = arith.index_cast %add3A_272 : i32 to index
        %get3A_286 = arith.constant 16 : index
        %get3A_287 = tpu.vector_load %arg10[%get3A_285, %get3A_286] {strides = array<i32>} : memref<128x128xf32, #tpu.memory_space<vmem>>, vector<16xf32>,
        %get3A_288 = arith.index_cast %add3A_272 : i32 to index
        %get3A_289 = arith.constant 80 : index
        %get3A_290 = tpu.vector_load %arg11[%get3A_288, %get3A_289] {strides = array<i32>} : memref<128x128xf32, #tpu.memory_space<vmem>>, vector<16xf32>,
        %add3A_291 = arith.addf %get3A_287, %get3A_290 : vector<16xf32>
        %max3A_292 = arith.constant 0.000000e+00 : f32
        %max3A_293 = vector.broadcast %max3A_292 : f32 to vector<16xf32>
        %max3A_294 = arith.maximumf %add3A_291, %max3A_293 : vector<16xf32>
        %mul3A_295 = arith.mulf %max3A_294, %get3A_3 : vector<16xf32>
        %add3A_296 = arith.addf %add3A_284, %mul3A_295 : vector<16xf32>
        %get3A_297 = arith.index_cast %add3A_272 : i32 to index
        %get3A_298 = arith.constant 32 : index
        %get3A_299 = tpu.vector_load %arg10[%get3A_297, %get3A_298] {strides = array<i32>} : memref<128x128xf32, #tpu.memory_space<vmem>>, vector<16xf32>,
        %get3A_300 = arith.index_cast %add3A_272 : i32 to index
        %get3A_301 = arith.constant 96 : index
        %get3A_302 = tpu.vector_load %arg11[%get3A_300, %get3A_301] {strides = array<i32>} : memref<128x128xf32, #tpu.memory_space<vmem>>, vector<16xf32>,
        %add3A_303 = arith.addf %get3A_299, %get3A_302 : vector<16xf32>
        %max3A_304 = arith.constant 0.000000e+00 : f32
        %max3A_305 = vector.broadcast %max3A_304 : f32 to vector<16xf32>
        %max3A_306 = arith.maximumf %add3A_303, %max3A_305 : vector<16xf32>
        %mul3A_307 = arith.mulf %max3A_306, %get3A_5 : vector<16xf32>
        %add3A_308 = arith.addf %add3A_296, %mul3A_307 : vector<16xf32>
        %get3A_309 = arith.index_cast %add3A_272 : i32 to index
        %get3A_310 = arith.constant 48 : index
        %get3A_311 = tpu.vector_load %arg10[%get3A_309, %get3A_310] {strides = array<i32>} : memref<128x128xf32, #tpu.memory_space<vmem>>, vector<16xf32>,
        %get3A_312 = arith.index_cast %add3A_272 : i32 to index
        %get3A_313 = arith.constant 112 : index
        %get3A_314 = tpu.vector_load %arg11[%get3A_312, %get3A_313] {strides = array<i32>} : memref<128x128xf32, #tpu.memory_space<vmem>>, vector<16xf32>,
        %add3A_315 = arith.addf %get3A_311, %get3A_314 : vector<16xf32>
        %max3A_316 = arith.constant 0.000000e+00 : f32
        %max3A_317 = vector.broadcast %max3A_316 : f32 to vector<16xf32>
        %max3A_318 = arith.maximumf %add3A_315, %max3A_317 : vector<16xf32>
        %mul3A_319 = arith.mulf %max3A_318, %get3A_7 : vector<16xf32>
        %add3A_320 = arith.addf %add3A_308, %mul3A_319 : vector<16xf32>
        %reduce_sum3A_321 = arith.constant true
        %reduce_sum3A_322 = vector.broadcast %reduce_sum3A_321 : i1 to vector<16xi1>
        %reduce_sum3A_323 = tpu.scan <sum>, %add3A_320 masked %reduce_sum3A_322 : vector<16xf32>, vector<16xi1> -> vector<16xf32>
        %reduce_sum3A_324 = vector.extract %reduce_sum3A_323[15] : f32 from vector<16xf32>
        %broadcast_in_dim3A_325 = vector.broadcast %add3A_272 : i32 to vector<16xi32>
        %broadcast_in_dim3A_326 = vector.broadcast %reduce_sum3A_324 : f32 to vector<16xf32>
        tpu.vector_store_idx %arg14[%broadcast_in_dim3A_325], %broadcast_in_dim3A_326 masked %eq3A_11 : memref<128xf32, #tpu.memory_space<vmem>>[vector<16xi32>], vector<16xf32>, vector<16xi1>
        %add3A_327 = arith.constant 4 : i32
        %add3A_328 = arith.addi %mul3A_105, %add3A_327 : i32
        %get3A_329 = arith.index_cast %add3A_328 : i32 to index
        %get3A_330 = arith.constant 0 : index
        %get3A_331 = tpu.vector_load %arg10[%get3A_329, %get3A_330] {strides = array<i32>} : memref<128x128xf32, #tpu.memory_space<vmem>>, vector<16xf32>,
        %get3A_332 = arith.index_cast %add3A_328 : i32 to index
        %get3A_333 = arith.constant 64 : index
        %get3A_334 = tpu.vector_load %arg11[%get3A_332, %get3A_333] {strides = array<i32>} : memref<128x128xf32, #tpu.memory_space<vmem>>, vector<16xf32>,
        %add3A_335 = arith.addf %get3A_331, %get3A_334 : vector<16xf32>
        %max3A_336 = arith.constant 0.000000e+00 : f32
        %max3A_337 = vector.broadcast %max3A_336 : f32 to vector<16xf32>
        %max3A_338 = arith.maximumf %add3A_335, %max3A_337 : vector<16xf32>
        %mul3A_339 = arith.mulf %max3A_338, %get3A_1 : vector<16xf32>
        %add3A_340 = arith.addf %get3A_9, %mul3A_339 : vector<16xf32>
        %get3A_341 = arith.index_cast %add3A_328 : i32 to index
        %get3A_342 = arith.constant 16 : index
        %get3A_343 = tpu.vector_load %arg10[%get3A_341, %get3A_342] {strides = array<i32>} : memref<128x128xf32, #tpu.memory_space<vmem>>, vector<16xf32>,
        %get3A_344 = arith.index_cast %add3A_328 : i32 to index
        %get3A_345 = arith.constant 80 : index
        %get3A_346 = tpu.vector_load %arg11[%get3A_344, %get3A_345] {strides = array<i32>} : memref<128x128xf32, #tpu.memory_space<vmem>>, vector<16xf32>,
        %add3A_347 = arith.addf %get3A_343, %get3A_346 : vector<16xf32>
        %max3A_348 = arith.constant 0.000000e+00 : f32
        %max3A_349 = vector.broadcast %max3A_348 : f32 to vector<16xf32>
        %max3A_350 = arith.maximumf %add3A_347, %max3A_349 : vector<16xf32>
        %mul3A_351 = arith.mulf %max3A_350, %get3A_3 : vector<16xf32>
        %add3A_352 = arith.addf %add3A_340, %mul3A_351 : vector<16xf32>
        %get3A_353 = arith.index_cast %add3A_328 : i32 to index
        %get3A_354 = arith.constant 32 : index
        %get3A_355 = tpu.vector_load %arg10[%get3A_353, %get3A_354] {strides = array<i32>} : memref<128x128xf32, #tpu.memory_space<vmem>>, vector<16xf32>,
        %get3A_356 = arith.index_cast %add3A_328 : i32 to index
        %get3A_357 = arith.constant 96 : index
        %get3A_358 = tpu.vector_load %arg11[%get3A_356, %get3A_357] {strides = array<i32>} : memref<128x128xf32, #tpu.memory_space<vmem>>, vector<16xf32>,
        %add3A_359 = arith.addf %get3A_355, %get3A_358 : vector<16xf32>
        %max3A_360 = arith.constant 0.000000e+00 : f32
        %max3A_361 = vector.broadcast %max3A_360 : f32 to vector<16xf32>
        %max3A_362 = arith.maximumf %add3A_359, %max3A_361 : vector<16xf32>
        %mul3A_363 = arith.mulf %max3A_362, %get3A_5 : vector<16xf32>
        %add3A_364 = arith.addf %add3A_352, %mul3A_363 : vector<16xf32>
        %get3A_365 = arith.index_cast %add3A_328 : i32 to index
        %get3A_366 = arith.constant 48 : index
        %get3A_367 = tpu.vector_load %arg10[%get3A_365, %get3A_366] {strides = array<i32>} : memref<128x128xf32, #tpu.memory_space<vmem>>, vector<16xf32>,
        %get3A_368 = arith.index_cast %add3A_328 : i32 to index
        %get3A_369 = arith.constant 112 : index
        %get3A_370 = tpu.vector_load %arg11[%get3A_368, %get3A_369] {strides = array<i32>} : memref<128x128xf32, #tpu.memory_space<vmem>>, vector<16xf32>,
        %add3A_371 = arith.addf %get3A_367, %get3A_370 : vector<16xf32>
        %max3A_372 = arith.constant 0.000000e+00 : f32
        %max3A_373 = vector.broadcast %max3A_372 : f32 to vector<16xf32>
        %max3A_374 = arith.maximumf %add3A_371, %max3A_373 : vector<16xf32>
        %mul3A_375 = arith.mulf %max3A_374, %get3A_7 : vector<16xf32>
        %add3A_376 = arith.addf %add3A_364, %mul3A_375 : vector<16xf32>
        %reduce_sum3A_377 = arith.constant true
        %reduce_sum3A_378 = vector.broadcast %reduce_sum3A_377 : i1 to vector<16xi1>
        %reduce_sum3A_379 = tpu.scan <sum>, %add3A_376 masked %reduce_sum3A_378 : vector<16xf32>, vector<16xi1> -> vector<16xf32>
        %reduce_sum3A_380 = vector.extract %reduce_sum3A_379[15] : f32 from vector<16xf32>
        %broadcast_in_dim3A_381 = vector.broadcast %add3A_328 : i32 to vector<16xi32>
        %broadcast_in_dim3A_382 = vector.broadcast %reduce_sum3A_380 : f32 to vector<16xf32>
        tpu.vector_store_idx %arg14[%broadcast_in_dim3A_381], %broadcast_in_dim3A_382 masked %eq3A_11 : memref<128xf32, #tpu.memory_space<vmem>>[vector<16xi32>], vector<16xf32>, vector<16xi1>
        %add3A_383 = arith.constant 5 : i32
        %add3A_384 = arith.addi %mul3A_105, %add3A_383 : i32
        %get3A_385 = arith.index_cast %add3A_384 : i32 to index
        %get3A_386 = arith.constant 0 : index
        %get3A_387 = tpu.vector_load %arg10[%get3A_385, %get3A_386] {strides = array<i32>} : memref<128x128xf32, #tpu.memory_space<vmem>>, vector<16xf32>,
        %get3A_388 = arith.index_cast %add3A_384 : i32 to index
        %get3A_389 = arith.constant 64 : index
        %get3A_390 = tpu.vector_load %arg11[%get3A_388, %get3A_389] {strides = array<i32>} : memref<128x128xf32, #tpu.memory_space<vmem>>, vector<16xf32>,
        %add3A_391 = arith.addf %get3A_387, %get3A_390 : vector<16xf32>
        %max3A_392 = arith.constant 0.000000e+00 : f32
        %max3A_393 = vector.broadcast %max3A_392 : f32 to vector<16xf32>
        %max3A_394 = arith.maximumf %add3A_391, %max3A_393 : vector<16xf32>
        %mul3A_395 = arith.mulf %max3A_394, %get3A_1 : vector<16xf32>
        %add3A_396 = arith.addf %get3A_9, %mul3A_395 : vector<16xf32>
        %get3A_397 = arith.index_cast %add3A_384 : i32 to index
        %get3A_398 = arith.constant 16 : index
        %get3A_399 = tpu.vector_load %arg10[%get3A_397, %get3A_398] {strides = array<i32>} : memref<128x128xf32, #tpu.memory_space<vmem>>, vector<16xf32>,
        %get3A_400 = arith.index_cast %add3A_384 : i32 to index
        %get3A_401 = arith.constant 80 : index
        %get3A_402 = tpu.vector_load %arg11[%get3A_400, %get3A_401] {strides = array<i32>} : memref<128x128xf32, #tpu.memory_space<vmem>>, vector<16xf32>,
        %add3A_403 = arith.addf %get3A_399, %get3A_402 : vector<16xf32>
        %max3A_404 = arith.constant 0.000000e+00 : f32
        %max3A_405 = vector.broadcast %max3A_404 : f32 to vector<16xf32>
        %max3A_406 = arith.maximumf %add3A_403, %max3A_405 : vector<16xf32>
        %mul3A_407 = arith.mulf %max3A_406, %get3A_3 : vector<16xf32>
        %add3A_408 = arith.addf %add3A_396, %mul3A_407 : vector<16xf32>
        %get3A_409 = arith.index_cast %add3A_384 : i32 to index
        %get3A_410 = arith.constant 32 : index
        %get3A_411 = tpu.vector_load %arg10[%get3A_409, %get3A_410] {strides = array<i32>} : memref<128x128xf32, #tpu.memory_space<vmem>>, vector<16xf32>,
        %get3A_412 = arith.index_cast %add3A_384 : i32 to index
        %get3A_413 = arith.constant 96 : index
        %get3A_414 = tpu.vector_load %arg11[%get3A_412, %get3A_413] {strides = array<i32>} : memref<128x128xf32, #tpu.memory_space<vmem>>, vector<16xf32>,
        %add3A_415 = arith.addf %get3A_411, %get3A_414 : vector<16xf32>
        %max3A_416 = arith.constant 0.000000e+00 : f32
        %max3A_417 = vector.broadcast %max3A_416 : f32 to vector<16xf32>
        %max3A_418 = arith.maximumf %add3A_415, %max3A_417 : vector<16xf32>
        %mul3A_419 = arith.mulf %max3A_418, %get3A_5 : vector<16xf32>
        %add3A_420 = arith.addf %add3A_408, %mul3A_419 : vector<16xf32>
        %get3A_421 = arith.index_cast %add3A_384 : i32 to index
        %get3A_422 = arith.constant 48 : index
        %get3A_423 = tpu.vector_load %arg10[%get3A_421, %get3A_422] {strides = array<i32>} : memref<128x128xf32, #tpu.memory_space<vmem>>, vector<16xf32>,
        %get3A_424 = arith.index_cast %add3A_384 : i32 to index
        %get3A_425 = arith.constant 112 : index
        %get3A_426 = tpu.vector_load %arg11[%get3A_424, %get3A_425] {strides = array<i32>} : memref<128x128xf32, #tpu.memory_space<vmem>>, vector<16xf32>,
        %add3A_427 = arith.addf %get3A_423, %get3A_426 : vector<16xf32>
        %max3A_428 = arith.constant 0.000000e+00 : f32
        %max3A_429 = vector.broadcast %max3A_428 : f32 to vector<16xf32>
        %max3A_430 = arith.maximumf %add3A_427, %max3A_429 : vector<16xf32>
        %mul3A_431 = arith.mulf %max3A_430, %get3A_7 : vector<16xf32>
        %add3A_432 = arith.addf %add3A_420, %mul3A_431 : vector<16xf32>
        %reduce_sum3A_433 = arith.constant true
        %reduce_sum3A_434 = vector.broadcast %reduce_sum3A_433 : i1 to vector<16xi1>
        %reduce_sum3A_435 = tpu.scan <sum>, %add3A_432 masked %reduce_sum3A_434 : vector<16xf32>, vector<16xi1> -> vector<16xf32>
        %reduce_sum3A_436 = vector.extract %reduce_sum3A_435[15] : f32 from vector<16xf32>
        %broadcast_in_dim3A_437 = vector.broadcast %add3A_384 : i32 to vector<16xi32>
        %broadcast_in_dim3A_438 = vector.broadcast %reduce_sum3A_436 : f32 to vector<16xf32>
        tpu.vector_store_idx %arg14[%broadcast_in_dim3A_437], %broadcast_in_dim3A_438 masked %eq3A_11 : memref<128xf32, #tpu.memory_space<vmem>>[vector<16xi32>], vector<16xf32>, vector<16xi1>
        %add3A_439 = arith.constant 6 : i32
        %add3A_440 = arith.addi %mul3A_105, %add3A_439 : i32
        %get3A_441 = arith.index_cast %add3A_440 : i32 to index
        %get3A_442 = arith.constant 0 : index
        %get3A_443 = tpu.vector_load %arg10[%get3A_441, %get3A_442] {strides = array<i32>} : memref<128x128xf32, #tpu.memory_space<vmem>>, vector<16xf32>,
        %get3A_444 = arith.index_cast %add3A_440 : i32 to index
        %get3A_445 = arith.constant 64 : index
        %get3A_446 = tpu.vector_load %arg11[%get3A_444, %get3A_445] {strides = array<i32>} : memref<128x128xf32, #tpu.memory_space<vmem>>, vector<16xf32>,
        %add3A_447 = arith.addf %get3A_443, %get3A_446 : vector<16xf32>
        %max3A_448 = arith.constant 0.000000e+00 : f32
        %max3A_449 = vector.broadcast %max3A_448 : f32 to vector<16xf32>
        %max3A_450 = arith.maximumf %add3A_447, %max3A_449 : vector<16xf32>
        %mul3A_451 = arith.mulf %max3A_450, %get3A_1 : vector<16xf32>
        %add3A_452 = arith.addf %get3A_9, %mul3A_451 : vector<16xf32>
        %get3A_453 = arith.index_cast %add3A_440 : i32 to index
        %get3A_454 = arith.constant 16 : index
        %get3A_455 = tpu.vector_load %arg10[%get3A_453, %get3A_454] {strides = array<i32>} : memref<128x128xf32, #tpu.memory_space<vmem>>, vector<16xf32>,
        %get3A_456 = arith.index_cast %add3A_440 : i32 to index
        %get3A_457 = arith.constant 80 : index
        %get3A_458 = tpu.vector_load %arg11[%get3A_456, %get3A_457] {strides = array<i32>} : memref<128x128xf32, #tpu.memory_space<vmem>>, vector<16xf32>,
        %add3A_459 = arith.addf %get3A_455, %get3A_458 : vector<16xf32>
        %max3A_460 = arith.constant 0.000000e+00 : f32
        %max3A_461 = vector.broadcast %max3A_460 : f32 to vector<16xf32>
        %max3A_462 = arith.maximumf %add3A_459, %max3A_461 : vector<16xf32>
        %mul3A_463 = arith.mulf %max3A_462, %get3A_3 : vector<16xf32>
        %add3A_464 = arith.addf %add3A_452, %mul3A_463 : vector<16xf32>
        %get3A_465 = arith.index_cast %add3A_440 : i32 to index
        %get3A_466 = arith.constant 32 : index
        %get3A_467 = tpu.vector_load %arg10[%get3A_465, %get3A_466] {strides = array<i32>} : memref<128x128xf32, #tpu.memory_space<vmem>>, vector<16xf32>,
        %get3A_468 = arith.index_cast %add3A_440 : i32 to index
        %get3A_469 = arith.constant 96 : index
        %get3A_470 = tpu.vector_load %arg11[%get3A_468, %get3A_469] {strides = array<i32>} : memref<128x128xf32, #tpu.memory_space<vmem>>, vector<16xf32>,
        %add3A_471 = arith.addf %get3A_467, %get3A_470 : vector<16xf32>
        %max3A_472 = arith.constant 0.000000e+00 : f32
        %max3A_473 = vector.broadcast %max3A_472 : f32 to vector<16xf32>
        %max3A_474 = arith.maximumf %add3A_471, %max3A_473 : vector<16xf32>
        %mul3A_475 = arith.mulf %max3A_474, %get3A_5 : vector<16xf32>
        %add3A_476 = arith.addf %add3A_464, %mul3A_475 : vector<16xf32>
        %get3A_477 = arith.index_cast %add3A_440 : i32 to index
        %get3A_478 = arith.constant 48 : index
        %get3A_479 = tpu.vector_load %arg10[%get3A_477, %get3A_478] {strides = array<i32>} : memref<128x128xf32, #tpu.memory_space<vmem>>, vector<16xf32>,
        %get3A_480 = arith.index_cast %add3A_440 : i32 to index
        %get3A_481 = arith.constant 112 : index
        %get3A_482 = tpu.vector_load %arg11[%get3A_480, %get3A_481] {strides = array<i32>} : memref<128x128xf32, #tpu.memory_space<vmem>>, vector<16xf32>,
        %add3A_483 = arith.addf %get3A_479, %get3A_482 : vector<16xf32>
        %max3A_484 = arith.constant 0.000000e+00 : f32
        %max3A_485 = vector.broadcast %max3A_484 : f32 to vector<16xf32>
        %max3A_486 = arith.maximumf %add3A_483, %max3A_485 : vector<16xf32>
        %mul3A_487 = arith.mulf %max3A_486, %get3A_7 : vector<16xf32>
        %add3A_488 = arith.addf %add3A_476, %mul3A_487 : vector<16xf32>
        %reduce_sum3A_489 = arith.constant true
        %reduce_sum3A_490 = vector.broadcast %reduce_sum3A_489 : i1 to vector<16xi1>
        %reduce_sum3A_491 = tpu.scan <sum>, %add3A_488 masked %reduce_sum3A_490 : vector<16xf32>, vector<16xi1> -> vector<16xf32>
        %reduce_sum3A_492 = vector.extract %reduce_sum3A_491[15] : f32 from vector<16xf32>
        %broadcast_in_dim3A_493 = vector.broadcast %add3A_440 : i32 to vector<16xi32>
        %broadcast_in_dim3A_494 = vector.broadcast %reduce_sum3A_492 : f32 to vector<16xf32>
        tpu.vector_store_idx %arg14[%broadcast_in_dim3A_493], %broadcast_in_dim3A_494 masked %eq3A_11 : memref<128xf32, #tpu.memory_space<vmem>>[vector<16xi32>], vector<16xf32>, vector<16xi1>
        %add3A_495 = arith.constant 7 : i32
        %add3A_496 = arith.addi %mul3A_105, %add3A_495 : i32
        %get3A_497 = arith.index_cast %add3A_496 : i32 to index
        %get3A_498 = arith.constant 0 : index
        %get3A_499 = tpu.vector_load %arg10[%get3A_497, %get3A_498] {strides = array<i32>} : memref<128x128xf32, #tpu.memory_space<vmem>>, vector<16xf32>,
        %get3A_500 = arith.index_cast %add3A_496 : i32 to index
        %get3A_501 = arith.constant 64 : index
        %get3A_502 = tpu.vector_load %arg11[%get3A_500, %get3A_501] {strides = array<i32>} : memref<128x128xf32, #tpu.memory_space<vmem>>, vector<16xf32>,
        %add3A_503 = arith.addf %get3A_499, %get3A_502 : vector<16xf32>
        %max3A_504 = arith.constant 0.000000e+00 : f32
        %max3A_505 = vector.broadcast %max3A_504 : f32 to vector<16xf32>
        %max3A_506 = arith.maximumf %add3A_503, %max3A_505 : vector<16xf32>
        %mul3A_507 = arith.mulf %max3A_506, %get3A_1 : vector<16xf32>
        %add3A_508 = arith.addf %get3A_9, %mul3A_507 : vector<16xf32>
        %get3A_509 = arith.index_cast %add3A_496 : i32 to index
        %get3A_510 = arith.constant 16 : index
        %get3A_511 = tpu.vector_load %arg10[%get3A_509, %get3A_510] {strides = array<i32>} : memref<128x128xf32, #tpu.memory_space<vmem>>, vector<16xf32>,
        %get3A_512 = arith.index_cast %add3A_496 : i32 to index
        %get3A_513 = arith.constant 80 : index
        %get3A_514 = tpu.vector_load %arg11[%get3A_512, %get3A_513] {strides = array<i32>} : memref<128x128xf32, #tpu.memory_space<vmem>>, vector<16xf32>,
        %add3A_515 = arith.addf %get3A_511, %get3A_514 : vector<16xf32>
        %max3A_516 = arith.constant 0.000000e+00 : f32
        %max3A_517 = vector.broadcast %max3A_516 : f32 to vector<16xf32>
        %max3A_518 = arith.maximumf %add3A_515, %max3A_517 : vector<16xf32>
        %mul3A_519 = arith.mulf %max3A_518, %get3A_3 : vector<16xf32>
        %add3A_520 = arith.addf %add3A_508, %mul3A_519 : vector<16xf32>
        %get3A_521 = arith.index_cast %add3A_496 : i32 to index
        %get3A_522 = arith.constant 32 : index
        %get3A_523 = tpu.vector_load %arg10[%get3A_521, %get3A_522] {strides = array<i32>} : memref<128x128xf32, #tpu.memory_space<vmem>>, vector<16xf32>,
        %get3A_524 = arith.index_cast %add3A_496 : i32 to index
        %get3A_525 = arith.constant 96 : index
        %get3A_526 = tpu.vector_load %arg11[%get3A_524, %get3A_525] {strides = array<i32>} : memref<128x128xf32, #tpu.memory_space<vmem>>, vector<16xf32>,
        %add3A_527 = arith.addf %get3A_523, %get3A_526 : vector<16xf32>
        %max3A_528 = arith.constant 0.000000e+00 : f32
        %max3A_529 = vector.broadcast %max3A_528 : f32 to vector<16xf32>
        %max3A_530 = arith.maximumf %add3A_527, %max3A_529 : vector<16xf32>
        %mul3A_531 = arith.mulf %max3A_530, %get3A_5 : vector<16xf32>
        %add3A_532 = arith.addf %add3A_520, %mul3A_531 : vector<16xf32>
        %get3A_533 = arith.index_cast %add3A_496 : i32 to index
        %get3A_534 = arith.constant 48 : index
        %get3A_535 = tpu.vector_load %arg10[%get3A_533, %get3A_534] {strides = array<i32>} : memref<128x128xf32, #tpu.memory_space<vmem>>, vector<16xf32>,
        %get3A_536 = arith.index_cast %add3A_496 : i32 to index
        %get3A_537 = arith.constant 112 : index
        %get3A_538 = tpu.vector_load %arg11[%get3A_536, %get3A_537] {strides = array<i32>} : memref<128x128xf32, #tpu.memory_space<vmem>>, vector<16xf32>,
        %add3A_539 = arith.addf %get3A_535, %get3A_538 : vector<16xf32>
        %max3A_540 = arith.constant 0.000000e+00 : f32
        %max3A_541 = vector.broadcast %max3A_540 : f32 to vector<16xf32>
        %max3A_542 = arith.maximumf %add3A_539, %max3A_541 : vector<16xf32>
        %mul3A_543 = arith.mulf %max3A_542, %get3A_7 : vector<16xf32>
        %add3A_544 = arith.addf %add3A_532, %mul3A_543 : vector<16xf32>
        %reduce_sum3A_545 = arith.constant true
        %reduce_sum3A_546 = vector.broadcast %reduce_sum3A_545 : i1 to vector<16xi1>
        %reduce_sum3A_547 = tpu.scan <sum>, %add3A_544 masked %reduce_sum3A_546 : vector<16xf32>, vector<16xi1> -> vector<16xf32>
        %reduce_sum3A_548 = vector.extract %reduce_sum3A_547[15] : f32 from vector<16xf32>
        %broadcast_in_dim3A_549 = vector.broadcast %add3A_496 : i32 to vector<16xi32>
        %broadcast_in_dim3A_550 = vector.broadcast %reduce_sum3A_548 : f32 to vector<16xf32>
        tpu.vector_store_idx %arg14[%broadcast_in_dim3A_549], %broadcast_in_dim3A_550 masked %eq3A_11 : memref<128xf32, #tpu.memory_space<vmem>>[vector<16xi32>], vector<16xf32>, vector<16xi1>
      }
      %scan3A_61 = arith.constant 16 : i32
      %mul3A_62 = arith.constant 10240 : i32
      %mul3A_63 = arith.muli %add3A, %mul3A_62 : i32
      %mul3A_64 = arith.constant 128 : i32
      %mul3A_65 = arith.muli %mul3A_31, %mul3A_64 : i32
      %add3A_66 = arith.addi %mul3A_63, %mul3A_65 : i32
      %lt3A = arith.constant 320000 : i32
      %lt3A_67 = arith.cmpi slt, %add3A_66, %lt3A : i32
      %convert_element_type3A = arith.extui %lt3A_67 : i1 to i32
      %cond3A = arith.constant 0 : i32
      %cond3A_68 = arith.cmpi ne, %convert_element_type3A, %cond3A : i32
      scf.if %cond3A_68 {
        %mul3A_103 = arith.constant 10240 : i32
        %mul3A_104 = arith.muli %add3A, %mul3A_103 : i32
        %mul3A_105 = arith.constant 128 : i32
        %mul3A_106 = arith.muli %mul3A_31, %mul3A_105 : i32
        %add3A_107 = arith.addi %mul3A_104, %mul3A_106 : i32
        "tpu.region"() ({
          %run_scoped3A = tpu.sem_alloc : memref<!tpu.dma_semaphore, #tpu.memory_space<semaphore_mem>>
          %dma_start3A_108 = tpu.memref_slice %arg7[%add3A_107] : memref<320000xf32, #tpu.memory_space<hbm>> -> memref<128xf32, #tpu.memory_space<hbm>>
          %dma_start3A_109 = tpu.memref_slice %arg7[%add3A_107] : memref<320000xf32, #tpu.memory_space<hbm>> -> memref<128xf32, #tpu.memory_space<hbm>>
          tpu.enqueue_dma source(%arg14 : memref<128xf32, #tpu.memory_space<vmem>>) target(%dma_start3A_109 : memref<128xf32, #tpu.memory_space<hbm>>) target_semaphore(%run_scoped3A : memref<!tpu.dma_semaphore, #tpu.memory_space<semaphore_mem>>)
          %dma_wait3A_110 = tpu.memref_slice %arg7[%add3A_107] : memref<320000xf32, #tpu.memory_space<hbm>> -> memref<128xf32, #tpu.memory_space<hbm>>
          %dma_wait3A_111 = tpu.memref_slice %arg7[%add3A_107] : memref<320000xf32, #tpu.memory_space<hbm>> -> memref<128xf32, #tpu.memory_space<hbm>>
          tpu.wait_dma2 semaphore(%run_scoped3A : memref<!tpu.dma_semaphore, #tpu.memory_space<semaphore_mem>>) src(%arg14 : memref<128xf32, #tpu.memory_space<vmem>>) dst(%dma_wait3A_111 : memref<128xf32, #tpu.memory_space<hbm>>)
          tpu.yield
        }) : () -> ()
      } else {
      }
      %dma_wait3A_69 = arith.constant 0 : i32
      %dma_wait3A_70 = tpu.memref_slice %arg8[%add3A_33, %dma_wait3A_69] : memref<80x128xi32, #tpu.memory_space<vmem>> -> memref<1x128xi32, #tpu.memory_space<vmem>>
      %dma_wait3A_71 = tpu.memref_squeeze %dma_wait3A_70 : memref<1x128xi32, #tpu.memory_space<vmem>> -> memref<128xi32, #tpu.memory_space<vmem>>
      %dma_wait3A_72 = arith.constant 0 : i32
      %dma_wait3A_73 = arith.constant 0 : i32
      %dma_wait3A_74 = tpu.memref_slice %arg2[%dma_wait3A_72, %dma_wait3A_73] : memref<10240x128xf32, #tpu.memory_space<hbm>> -> memref<10240x128xf32, #tpu.memory_space<hbm>>
      tpu.wait_indirect_dma semaphore(%arg18 : memref<!tpu.dma_semaphore, #tpu.memory_space<semaphore_mem>>) src(%dma_wait3A_74 : memref<10240x128xf32, #tpu.memory_space<hbm>>) dst(%arg12 : memref<128x128xf32, #tpu.memory_space<vmem>>)
      %dma_wait3A_75 = arith.constant 0 : i32
      %dma_wait3A_76 = tpu.memref_slice %arg9[%add3A_33, %dma_wait3A_75] : memref<80x128xi32, #tpu.memory_space<vmem>> -> memref<1x128xi32, #tpu.memory_space<vmem>>
      %dma_wait3A_77 = tpu.memref_squeeze %dma_wait3A_76 : memref<1x128xi32, #tpu.memory_space<vmem>> -> memref<128xi32, #tpu.memory_space<vmem>>
      %dma_wait3A_78 = arith.constant 0 : i32
      %dma_wait3A_79 = arith.constant 0 : i32
      %dma_wait3A_80 = tpu.memref_slice %arg2[%dma_wait3A_78, %dma_wait3A_79] : memref<10240x128xf32, #tpu.memory_space<hbm>> -> memref<10240x128xf32, #tpu.memory_space<hbm>>
      tpu.wait_indirect_dma semaphore(%arg18 : memref<!tpu.dma_semaphore, #tpu.memory_space<semaphore_mem>>) src(%dma_wait3A_80 : memref<10240x128xf32, #tpu.memory_space<hbm>>) dst(%arg13 : memref<128x128xf32, #tpu.memory_space<vmem>>)
      %add3A_81 = arith.constant 2 : i32
      %add3A_82 = arith.addi %mul3A_31, %add3A_81 : i32
      %lt3A_83 = arith.constant 80 : i32
      %lt3A_84 = arith.cmpi slt, %add3A_82, %lt3A_83 : i32
      %convert_element_type3A_85 = arith.extui %lt3A_84 : i1 to i32
      %cond3A_86 = arith.constant 0 : i32
      %cond3A_87 = arith.cmpi ne, %convert_element_type3A_85, %cond3A_86 : i32
      scf.if %cond3A_87 {
        %add3A_103 = arith.constant 2 : i32
        %add3A_104 = arith.addi %mul3A_31, %add3A_103 : i32
        %dma_start3A_105 = arith.constant 0 : i32
        %dma_start3A_106 = tpu.memref_slice %arg8[%add3A_104, %dma_start3A_105] : memref<80x128xi32, #tpu.memory_space<vmem>> -> memref<1x128xi32, #tpu.memory_space<vmem>>
        %dma_start3A_107 = tpu.memref_squeeze %dma_start3A_106 : memref<1x128xi32, #tpu.memory_space<vmem>> -> memref<128xi32, #tpu.memory_space<vmem>>
        %dma_start3A_108 = arith.constant 0 : i32
        %dma_start3A_109 = arith.constant 0 : i32
        %dma_start3A_110 = tpu.memref_slice %arg2[%dma_start3A_108, %dma_start3A_109] : memref<10240x128xf32, #tpu.memory_space<hbm>> -> memref<10240x128xf32, #tpu.memory_space<hbm>>
        tpu.enqueue_indirect_dma source(%dma_start3A_110 : memref<10240x128xf32, #tpu.memory_space<hbm>>) target(%arg10 : memref<128x128xf32, #tpu.memory_space<vmem>>) offsets(%dma_start3A_107 : memref<128xi32, #tpu.memory_space<vmem>>) semaphore(%arg17 : memref<!tpu.dma_semaphore, #tpu.memory_space<semaphore_mem>>)
        %dma_start3A_111 = arith.constant 0 : i32
        %dma_start3A_112 = tpu.memref_slice %arg9[%add3A_104, %dma_start3A_111] : memref<80x128xi32, #tpu.memory_space<vmem>> -> memref<1x128xi32, #tpu.memory_space<vmem>>
        %dma_start3A_113 = tpu.memref_squeeze %dma_start3A_112 : memref<1x128xi32, #tpu.memory_space<vmem>> -> memref<128xi32, #tpu.memory_space<vmem>>
        %dma_start3A_114 = arith.constant 0 : i32
        %dma_start3A_115 = arith.constant 0 : i32
        %dma_start3A_116 = tpu.memref_slice %arg2[%dma_start3A_114, %dma_start3A_115] : memref<10240x128xf32, #tpu.memory_space<hbm>> -> memref<10240x128xf32, #tpu.memory_space<hbm>>
        tpu.enqueue_indirect_dma source(%dma_start3A_116 : memref<10240x128xf32, #tpu.memory_space<hbm>>) target(%arg11 : memref<128x128xf32, #tpu.memory_space<vmem>>) offsets(%dma_start3A_113 : memref<128xi32, #tpu.memory_space<vmem>>) semaphore(%arg17 : memref<!tpu.dma_semaphore, #tpu.memory_space<semaphore_mem>>)
      } else {
      }
      %scan3A_88 = arith.constant 0 : i32
      %scan3A_89 = arith.constant 16 : i32
      %scan3A_90 = arith.addi %scan3A_88, %scan3A_89 : i32
      %scan3A_91 = arith.constant 1 : i32
      scf.for %scan3A_103 = %scan3A_88 to %scan3A_90 step %scan3A_91  : i32 {
        %mul3A_104 = arith.constant 8 : i32
        %mul3A_105 = arith.muli %scan3A_103, %mul3A_104 : i32
        %add3A_106 = arith.constant 0 : i32
        %add3A_107 = arith.addi %mul3A_105, %add3A_106 : i32
        %get3A_108 = arith.index_cast %add3A_107 : i32 to index
        %get3A_109 = arith.constant 0 : index
        %get3A_110 = tpu.vector_load %arg12[%get3A_108, %get3A_109] {strides = array<i32>} : memref<128x128xf32, #tpu.memory_space<vmem>>, vector<16xf32>,
        %get3A_111 = arith.index_cast %add3A_107 : i32 to index
        %get3A_112 = arith.constant 64 : index
        %get3A_113 = tpu.vector_load %arg13[%get3A_111, %get3A_112] {strides = array<i32>} : memref<128x128xf32, #tpu.memory_space<vmem>>, vector<16xf32>,
        %add3A_114 = arith.addf %get3A_110, %get3A_113 : vector<16xf32>
        %max3A = arith.constant 0.000000e+00 : f32
        %max3A_115 = vector.broadcast %max3A : f32 to vector<16xf32>
        %max3A_116 = arith.maximumf %add3A_114, %max3A_115 : vector<16xf32>
        %mul3A_117 = arith.mulf %max3A_116, %get3A_1 : vector<16xf32>
        %add3A_118 = arith.addf %get3A_9, %mul3A_117 : vector<16xf32>
        %get3A_119 = arith.index_cast %add3A_107 : i32 to index
        %get3A_120 = arith.constant 16 : index
        %get3A_121 = tpu.vector_load %arg12[%get3A_119, %get3A_120] {strides = array<i32>} : memref<128x128xf32, #tpu.memory_space<vmem>>, vector<16xf32>,
        %get3A_122 = arith.index_cast %add3A_107 : i32 to index
        %get3A_123 = arith.constant 80 : index
        %get3A_124 = tpu.vector_load %arg13[%get3A_122, %get3A_123] {strides = array<i32>} : memref<128x128xf32, #tpu.memory_space<vmem>>, vector<16xf32>,
        %add3A_125 = arith.addf %get3A_121, %get3A_124 : vector<16xf32>
        %max3A_126 = arith.constant 0.000000e+00 : f32
        %max3A_127 = vector.broadcast %max3A_126 : f32 to vector<16xf32>
        %max3A_128 = arith.maximumf %add3A_125, %max3A_127 : vector<16xf32>
        %mul3A_129 = arith.mulf %max3A_128, %get3A_3 : vector<16xf32>
        %add3A_130 = arith.addf %add3A_118, %mul3A_129 : vector<16xf32>
        %get3A_131 = arith.index_cast %add3A_107 : i32 to index
        %get3A_132 = arith.constant 32 : index
        %get3A_133 = tpu.vector_load %arg12[%get3A_131, %get3A_132] {strides = array<i32>} : memref<128x128xf32, #tpu.memory_space<vmem>>, vector<16xf32>,
        %get3A_134 = arith.index_cast %add3A_107 : i32 to index
        %get3A_135 = arith.constant 96 : index
        %get3A_136 = tpu.vector_load %arg13[%get3A_134, %get3A_135] {strides = array<i32>} : memref<128x128xf32, #tpu.memory_space<vmem>>, vector<16xf32>,
        %add3A_137 = arith.addf %get3A_133, %get3A_136 : vector<16xf32>
        %max3A_138 = arith.constant 0.000000e+00 : f32
        %max3A_139 = vector.broadcast %max3A_138 : f32 to vector<16xf32>
        %max3A_140 = arith.maximumf %add3A_137, %max3A_139 : vector<16xf32>
        %mul3A_141 = arith.mulf %max3A_140, %get3A_5 : vector<16xf32>
        %add3A_142 = arith.addf %add3A_130, %mul3A_141 : vector<16xf32>
        %get3A_143 = arith.index_cast %add3A_107 : i32 to index
        %get3A_144 = arith.constant 48 : index
        %get3A_145 = tpu.vector_load %arg12[%get3A_143, %get3A_144] {strides = array<i32>} : memref<128x128xf32, #tpu.memory_space<vmem>>, vector<16xf32>,
        %get3A_146 = arith.index_cast %add3A_107 : i32 to index
        %get3A_147 = arith.constant 112 : index
        %get3A_148 = tpu.vector_load %arg13[%get3A_146, %get3A_147] {strides = array<i32>} : memref<128x128xf32, #tpu.memory_space<vmem>>, vector<16xf32>,
        %add3A_149 = arith.addf %get3A_145, %get3A_148 : vector<16xf32>
        %max3A_150 = arith.constant 0.000000e+00 : f32
        %max3A_151 = vector.broadcast %max3A_150 : f32 to vector<16xf32>
        %max3A_152 = arith.maximumf %add3A_149, %max3A_151 : vector<16xf32>
        %mul3A_153 = arith.mulf %max3A_152, %get3A_7 : vector<16xf32>
        %add3A_154 = arith.addf %add3A_142, %mul3A_153 : vector<16xf32>
        %reduce_sum3A = arith.constant true
        %reduce_sum3A_155 = vector.broadcast %reduce_sum3A : i1 to vector<16xi1>
        %reduce_sum3A_156 = tpu.scan <sum>, %add3A_154 masked %reduce_sum3A_155 : vector<16xf32>, vector<16xi1> -> vector<16xf32>
        %reduce_sum3A_157 = vector.extract %reduce_sum3A_156[15] : f32 from vector<16xf32>
        %broadcast_in_dim3A = vector.broadcast %add3A_107 : i32 to vector<16xi32>
        %broadcast_in_dim3A_158 = vector.broadcast %reduce_sum3A_157 : f32 to vector<16xf32>
        tpu.vector_store_idx %arg14[%broadcast_in_dim3A], %broadcast_in_dim3A_158 masked %eq3A_11 : memref<128xf32, #tpu.memory_space<vmem>>[vector<16xi32>], vector<16xf32>, vector<16xi1>
        %add3A_159 = arith.constant 1 : i32
        %add3A_160 = arith.addi %mul3A_105, %add3A_159 : i32
        %get3A_161 = arith.index_cast %add3A_160 : i32 to index
        %get3A_162 = arith.constant 0 : index
        %get3A_163 = tpu.vector_load %arg12[%get3A_161, %get3A_162] {strides = array<i32>} : memref<128x128xf32, #tpu.memory_space<vmem>>, vector<16xf32>,
        %get3A_164 = arith.index_cast %add3A_160 : i32 to index
        %get3A_165 = arith.constant 64 : index
        %get3A_166 = tpu.vector_load %arg13[%get3A_164, %get3A_165] {strides = array<i32>} : memref<128x128xf32, #tpu.memory_space<vmem>>, vector<16xf32>,
        %add3A_167 = arith.addf %get3A_163, %get3A_166 : vector<16xf32>
        %max3A_168 = arith.constant 0.000000e+00 : f32
        %max3A_169 = vector.broadcast %max3A_168 : f32 to vector<16xf32>
        %max3A_170 = arith.maximumf %add3A_167, %max3A_169 : vector<16xf32>
        %mul3A_171 = arith.mulf %max3A_170, %get3A_1 : vector<16xf32>
        %add3A_172 = arith.addf %get3A_9, %mul3A_171 : vector<16xf32>
        %get3A_173 = arith.index_cast %add3A_160 : i32 to index
        %get3A_174 = arith.constant 16 : index
        %get3A_175 = tpu.vector_load %arg12[%get3A_173, %get3A_174] {strides = array<i32>} : memref<128x128xf32, #tpu.memory_space<vmem>>, vector<16xf32>,
        %get3A_176 = arith.index_cast %add3A_160 : i32 to index
        %get3A_177 = arith.constant 80 : index
        %get3A_178 = tpu.vector_load %arg13[%get3A_176, %get3A_177] {strides = array<i32>} : memref<128x128xf32, #tpu.memory_space<vmem>>, vector<16xf32>,
        %add3A_179 = arith.addf %get3A_175, %get3A_178 : vector<16xf32>
        %max3A_180 = arith.constant 0.000000e+00 : f32
        %max3A_181 = vector.broadcast %max3A_180 : f32 to vector<16xf32>
        %max3A_182 = arith.maximumf %add3A_179, %max3A_181 : vector<16xf32>
        %mul3A_183 = arith.mulf %max3A_182, %get3A_3 : vector<16xf32>
        %add3A_184 = arith.addf %add3A_172, %mul3A_183 : vector<16xf32>
        %get3A_185 = arith.index_cast %add3A_160 : i32 to index
        %get3A_186 = arith.constant 32 : index
        %get3A_187 = tpu.vector_load %arg12[%get3A_185, %get3A_186] {strides = array<i32>} : memref<128x128xf32, #tpu.memory_space<vmem>>, vector<16xf32>,
        %get3A_188 = arith.index_cast %add3A_160 : i32 to index
        %get3A_189 = arith.constant 96 : index
        %get3A_190 = tpu.vector_load %arg13[%get3A_188, %get3A_189] {strides = array<i32>} : memref<128x128xf32, #tpu.memory_space<vmem>>, vector<16xf32>,
        %add3A_191 = arith.addf %get3A_187, %get3A_190 : vector<16xf32>
        %max3A_192 = arith.constant 0.000000e+00 : f32
        %max3A_193 = vector.broadcast %max3A_192 : f32 to vector<16xf32>
        %max3A_194 = arith.maximumf %add3A_191, %max3A_193 : vector<16xf32>
        %mul3A_195 = arith.mulf %max3A_194, %get3A_5 : vector<16xf32>
        %add3A_196 = arith.addf %add3A_184, %mul3A_195 : vector<16xf32>
        %get3A_197 = arith.index_cast %add3A_160 : i32 to index
        %get3A_198 = arith.constant 48 : index
        %get3A_199 = tpu.vector_load %arg12[%get3A_197, %get3A_198] {strides = array<i32>} : memref<128x128xf32, #tpu.memory_space<vmem>>, vector<16xf32>,
        %get3A_200 = arith.index_cast %add3A_160 : i32 to index
        %get3A_201 = arith.constant 112 : index
        %get3A_202 = tpu.vector_load %arg13[%get3A_200, %get3A_201] {strides = array<i32>} : memref<128x128xf32, #tpu.memory_space<vmem>>, vector<16xf32>,
        %add3A_203 = arith.addf %get3A_199, %get3A_202 : vector<16xf32>
        %max3A_204 = arith.constant 0.000000e+00 : f32
        %max3A_205 = vector.broadcast %max3A_204 : f32 to vector<16xf32>
        %max3A_206 = arith.maximumf %add3A_203, %max3A_205 : vector<16xf32>
        %mul3A_207 = arith.mulf %max3A_206, %get3A_7 : vector<16xf32>
        %add3A_208 = arith.addf %add3A_196, %mul3A_207 : vector<16xf32>
        %reduce_sum3A_209 = arith.constant true
        %reduce_sum3A_210 = vector.broadcast %reduce_sum3A_209 : i1 to vector<16xi1>
        %reduce_sum3A_211 = tpu.scan <sum>, %add3A_208 masked %reduce_sum3A_210 : vector<16xf32>, vector<16xi1> -> vector<16xf32>
        %reduce_sum3A_212 = vector.extract %reduce_sum3A_211[15] : f32 from vector<16xf32>
        %broadcast_in_dim3A_213 = vector.broadcast %add3A_160 : i32 to vector<16xi32>
        %broadcast_in_dim3A_214 = vector.broadcast %reduce_sum3A_212 : f32 to vector<16xf32>
        tpu.vector_store_idx %arg14[%broadcast_in_dim3A_213], %broadcast_in_dim3A_214 masked %eq3A_11 : memref<128xf32, #tpu.memory_space<vmem>>[vector<16xi32>], vector<16xf32>, vector<16xi1>
        %add3A_215 = arith.constant 2 : i32
        %add3A_216 = arith.addi %mul3A_105, %add3A_215 : i32
        %get3A_217 = arith.index_cast %add3A_216 : i32 to index
        %get3A_218 = arith.constant 0 : index
        %get3A_219 = tpu.vector_load %arg12[%get3A_217, %get3A_218] {strides = array<i32>} : memref<128x128xf32, #tpu.memory_space<vmem>>, vector<16xf32>,
        %get3A_220 = arith.index_cast %add3A_216 : i32 to index
        %get3A_221 = arith.constant 64 : index
        %get3A_222 = tpu.vector_load %arg13[%get3A_220, %get3A_221] {strides = array<i32>} : memref<128x128xf32, #tpu.memory_space<vmem>>, vector<16xf32>,
        %add3A_223 = arith.addf %get3A_219, %get3A_222 : vector<16xf32>
        %max3A_224 = arith.constant 0.000000e+00 : f32
        %max3A_225 = vector.broadcast %max3A_224 : f32 to vector<16xf32>
        %max3A_226 = arith.maximumf %add3A_223, %max3A_225 : vector<16xf32>
        %mul3A_227 = arith.mulf %max3A_226, %get3A_1 : vector<16xf32>
        %add3A_228 = arith.addf %get3A_9, %mul3A_227 : vector<16xf32>
        %get3A_229 = arith.index_cast %add3A_216 : i32 to index
        %get3A_230 = arith.constant 16 : index
        %get3A_231 = tpu.vector_load %arg12[%get3A_229, %get3A_230] {strides = array<i32>} : memref<128x128xf32, #tpu.memory_space<vmem>>, vector<16xf32>,
        %get3A_232 = arith.index_cast %add3A_216 : i32 to index
        %get3A_233 = arith.constant 80 : index
        %get3A_234 = tpu.vector_load %arg13[%get3A_232, %get3A_233] {strides = array<i32>} : memref<128x128xf32, #tpu.memory_space<vmem>>, vector<16xf32>,
        %add3A_235 = arith.addf %get3A_231, %get3A_234 : vector<16xf32>
        %max3A_236 = arith.constant 0.000000e+00 : f32
        %max3A_237 = vector.broadcast %max3A_236 : f32 to vector<16xf32>
        %max3A_238 = arith.maximumf %add3A_235, %max3A_237 : vector<16xf32>
        %mul3A_239 = arith.mulf %max3A_238, %get3A_3 : vector<16xf32>
        %add3A_240 = arith.addf %add3A_228, %mul3A_239 : vector<16xf32>
        %get3A_241 = arith.index_cast %add3A_216 : i32 to index
        %get3A_242 = arith.constant 32 : index
        %get3A_243 = tpu.vector_load %arg12[%get3A_241, %get3A_242] {strides = array<i32>} : memref<128x128xf32, #tpu.memory_space<vmem>>, vector<16xf32>,
        %get3A_244 = arith.index_cast %add3A_216 : i32 to index
        %get3A_245 = arith.constant 96 : index
        %get3A_246 = tpu.vector_load %arg13[%get3A_244, %get3A_245] {strides = array<i32>} : memref<128x128xf32, #tpu.memory_space<vmem>>, vector<16xf32>,
        %add3A_247 = arith.addf %get3A_243, %get3A_246 : vector<16xf32>
        %max3A_248 = arith.constant 0.000000e+00 : f32
        %max3A_249 = vector.broadcast %max3A_248 : f32 to vector<16xf32>
        %max3A_250 = arith.maximumf %add3A_247, %max3A_249 : vector<16xf32>
        %mul3A_251 = arith.mulf %max3A_250, %get3A_5 : vector<16xf32>
        %add3A_252 = arith.addf %add3A_240, %mul3A_251 : vector<16xf32>
        %get3A_253 = arith.index_cast %add3A_216 : i32 to index
        %get3A_254 = arith.constant 48 : index
        %get3A_255 = tpu.vector_load %arg12[%get3A_253, %get3A_254] {strides = array<i32>} : memref<128x128xf32, #tpu.memory_space<vmem>>, vector<16xf32>,
        %get3A_256 = arith.index_cast %add3A_216 : i32 to index
        %get3A_257 = arith.constant 112 : index
        %get3A_258 = tpu.vector_load %arg13[%get3A_256, %get3A_257] {strides = array<i32>} : memref<128x128xf32, #tpu.memory_space<vmem>>, vector<16xf32>,
        %add3A_259 = arith.addf %get3A_255, %get3A_258 : vector<16xf32>
        %max3A_260 = arith.constant 0.000000e+00 : f32
        %max3A_261 = vector.broadcast %max3A_260 : f32 to vector<16xf32>
        %max3A_262 = arith.maximumf %add3A_259, %max3A_261 : vector<16xf32>
        %mul3A_263 = arith.mulf %max3A_262, %get3A_7 : vector<16xf32>
        %add3A_264 = arith.addf %add3A_252, %mul3A_263 : vector<16xf32>
        %reduce_sum3A_265 = arith.constant true
        %reduce_sum3A_266 = vector.broadcast %reduce_sum3A_265 : i1 to vector<16xi1>
        %reduce_sum3A_267 = tpu.scan <sum>, %add3A_264 masked %reduce_sum3A_266 : vector<16xf32>, vector<16xi1> -> vector<16xf32>
        %reduce_sum3A_268 = vector.extract %reduce_sum3A_267[15] : f32 from vector<16xf32>
        %broadcast_in_dim3A_269 = vector.broadcast %add3A_216 : i32 to vector<16xi32>
        %broadcast_in_dim3A_270 = vector.broadcast %reduce_sum3A_268 : f32 to vector<16xf32>
        tpu.vector_store_idx %arg14[%broadcast_in_dim3A_269], %broadcast_in_dim3A_270 masked %eq3A_11 : memref<128xf32, #tpu.memory_space<vmem>>[vector<16xi32>], vector<16xf32>, vector<16xi1>
        %add3A_271 = arith.constant 3 : i32
        %add3A_272 = arith.addi %mul3A_105, %add3A_271 : i32
        %get3A_273 = arith.index_cast %add3A_272 : i32 to index
        %get3A_274 = arith.constant 0 : index
        %get3A_275 = tpu.vector_load %arg12[%get3A_273, %get3A_274] {strides = array<i32>} : memref<128x128xf32, #tpu.memory_space<vmem>>, vector<16xf32>,
        %get3A_276 = arith.index_cast %add3A_272 : i32 to index
        %get3A_277 = arith.constant 64 : index
        %get3A_278 = tpu.vector_load %arg13[%get3A_276, %get3A_277] {strides = array<i32>} : memref<128x128xf32, #tpu.memory_space<vmem>>, vector<16xf32>,
        %add3A_279 = arith.addf %get3A_275, %get3A_278 : vector<16xf32>
        %max3A_280 = arith.constant 0.000000e+00 : f32
        %max3A_281 = vector.broadcast %max3A_280 : f32 to vector<16xf32>
        %max3A_282 = arith.maximumf %add3A_279, %max3A_281 : vector<16xf32>
        %mul3A_283 = arith.mulf %max3A_282, %get3A_1 : vector<16xf32>
        %add3A_284 = arith.addf %get3A_9, %mul3A_283 : vector<16xf32>
        %get3A_285 = arith.index_cast %add3A_272 : i32 to index
        %get3A_286 = arith.constant 16 : index
        %get3A_287 = tpu.vector_load %arg12[%get3A_285, %get3A_286] {strides = array<i32>} : memref<128x128xf32, #tpu.memory_space<vmem>>, vector<16xf32>,
        %get3A_288 = arith.index_cast %add3A_272 : i32 to index
        %get3A_289 = arith.constant 80 : index
        %get3A_290 = tpu.vector_load %arg13[%get3A_288, %get3A_289] {strides = array<i32>} : memref<128x128xf32, #tpu.memory_space<vmem>>, vector<16xf32>,
        %add3A_291 = arith.addf %get3A_287, %get3A_290 : vector<16xf32>
        %max3A_292 = arith.constant 0.000000e+00 : f32
        %max3A_293 = vector.broadcast %max3A_292 : f32 to vector<16xf32>
        %max3A_294 = arith.maximumf %add3A_291, %max3A_293 : vector<16xf32>
        %mul3A_295 = arith.mulf %max3A_294, %get3A_3 : vector<16xf32>
        %add3A_296 = arith.addf %add3A_284, %mul3A_295 : vector<16xf32>
        %get3A_297 = arith.index_cast %add3A_272 : i32 to index
        %get3A_298 = arith.constant 32 : index
        %get3A_299 = tpu.vector_load %arg12[%get3A_297, %get3A_298] {strides = array<i32>} : memref<128x128xf32, #tpu.memory_space<vmem>>, vector<16xf32>,
        %get3A_300 = arith.index_cast %add3A_272 : i32 to index
        %get3A_301 = arith.constant 96 : index
        %get3A_302 = tpu.vector_load %arg13[%get3A_300, %get3A_301] {strides = array<i32>} : memref<128x128xf32, #tpu.memory_space<vmem>>, vector<16xf32>,
        %add3A_303 = arith.addf %get3A_299, %get3A_302 : vector<16xf32>
        %max3A_304 = arith.constant 0.000000e+00 : f32
        %max3A_305 = vector.broadcast %max3A_304 : f32 to vector<16xf32>
        %max3A_306 = arith.maximumf %add3A_303, %max3A_305 : vector<16xf32>
        %mul3A_307 = arith.mulf %max3A_306, %get3A_5 : vector<16xf32>
        %add3A_308 = arith.addf %add3A_296, %mul3A_307 : vector<16xf32>
        %get3A_309 = arith.index_cast %add3A_272 : i32 to index
        %get3A_310 = arith.constant 48 : index
        %get3A_311 = tpu.vector_load %arg12[%get3A_309, %get3A_310] {strides = array<i32>} : memref<128x128xf32, #tpu.memory_space<vmem>>, vector<16xf32>,
        %get3A_312 = arith.index_cast %add3A_272 : i32 to index
        %get3A_313 = arith.constant 112 : index
        %get3A_314 = tpu.vector_load %arg13[%get3A_312, %get3A_313] {strides = array<i32>} : memref<128x128xf32, #tpu.memory_space<vmem>>, vector<16xf32>,
        %add3A_315 = arith.addf %get3A_311, %get3A_314 : vector<16xf32>
        %max3A_316 = arith.constant 0.000000e+00 : f32
        %max3A_317 = vector.broadcast %max3A_316 : f32 to vector<16xf32>
        %max3A_318 = arith.maximumf %add3A_315, %max3A_317 : vector<16xf32>
        %mul3A_319 = arith.mulf %max3A_318, %get3A_7 : vector<16xf32>
        %add3A_320 = arith.addf %add3A_308, %mul3A_319 : vector<16xf32>
        %reduce_sum3A_321 = arith.constant true
        %reduce_sum3A_322 = vector.broadcast %reduce_sum3A_321 : i1 to vector<16xi1>
        %reduce_sum3A_323 = tpu.scan <sum>, %add3A_320 masked %reduce_sum3A_322 : vector<16xf32>, vector<16xi1> -> vector<16xf32>
        %reduce_sum3A_324 = vector.extract %reduce_sum3A_323[15] : f32 from vector<16xf32>
        %broadcast_in_dim3A_325 = vector.broadcast %add3A_272 : i32 to vector<16xi32>
        %broadcast_in_dim3A_326 = vector.broadcast %reduce_sum3A_324 : f32 to vector<16xf32>
        tpu.vector_store_idx %arg14[%broadcast_in_dim3A_325], %broadcast_in_dim3A_326 masked %eq3A_11 : memref<128xf32, #tpu.memory_space<vmem>>[vector<16xi32>], vector<16xf32>, vector<16xi1>
        %add3A_327 = arith.constant 4 : i32
        %add3A_328 = arith.addi %mul3A_105, %add3A_327 : i32
        %get3A_329 = arith.index_cast %add3A_328 : i32 to index
        %get3A_330 = arith.constant 0 : index
        %get3A_331 = tpu.vector_load %arg12[%get3A_329, %get3A_330] {strides = array<i32>} : memref<128x128xf32, #tpu.memory_space<vmem>>, vector<16xf32>,
        %get3A_332 = arith.index_cast %add3A_328 : i32 to index
        %get3A_333 = arith.constant 64 : index
        %get3A_334 = tpu.vector_load %arg13[%get3A_332, %get3A_333] {strides = array<i32>} : memref<128x128xf32, #tpu.memory_space<vmem>>, vector<16xf32>,
        %add3A_335 = arith.addf %get3A_331, %get3A_334 : vector<16xf32>
        %max3A_336 = arith.constant 0.000000e+00 : f32
        %max3A_337 = vector.broadcast %max3A_336 : f32 to vector<16xf32>
        %max3A_338 = arith.maximumf %add3A_335, %max3A_337 : vector<16xf32>
        %mul3A_339 = arith.mulf %max3A_338, %get3A_1 : vector<16xf32>
        %add3A_340 = arith.addf %get3A_9, %mul3A_339 : vector<16xf32>
        %get3A_341 = arith.index_cast %add3A_328 : i32 to index
        %get3A_342 = arith.constant 16 : index
        %get3A_343 = tpu.vector_load %arg12[%get3A_341, %get3A_342] {strides = array<i32>} : memref<128x128xf32, #tpu.memory_space<vmem>>, vector<16xf32>,
        %get3A_344 = arith.index_cast %add3A_328 : i32 to index
        %get3A_345 = arith.constant 80 : index
        %get3A_346 = tpu.vector_load %arg13[%get3A_344, %get3A_345] {strides = array<i32>} : memref<128x128xf32, #tpu.memory_space<vmem>>, vector<16xf32>,
        %add3A_347 = arith.addf %get3A_343, %get3A_346 : vector<16xf32>
        %max3A_348 = arith.constant 0.000000e+00 : f32
        %max3A_349 = vector.broadcast %max3A_348 : f32 to vector<16xf32>
        %max3A_350 = arith.maximumf %add3A_347, %max3A_349 : vector<16xf32>
        %mul3A_351 = arith.mulf %max3A_350, %get3A_3 : vector<16xf32>
        %add3A_352 = arith.addf %add3A_340, %mul3A_351 : vector<16xf32>
        %get3A_353 = arith.index_cast %add3A_328 : i32 to index
        %get3A_354 = arith.constant 32 : index
        %get3A_355 = tpu.vector_load %arg12[%get3A_353, %get3A_354] {strides = array<i32>} : memref<128x128xf32, #tpu.memory_space<vmem>>, vector<16xf32>,
        %get3A_356 = arith.index_cast %add3A_328 : i32 to index
        %get3A_357 = arith.constant 96 : index
        %get3A_358 = tpu.vector_load %arg13[%get3A_356, %get3A_357] {strides = array<i32>} : memref<128x128xf32, #tpu.memory_space<vmem>>, vector<16xf32>,
        %add3A_359 = arith.addf %get3A_355, %get3A_358 : vector<16xf32>
        %max3A_360 = arith.constant 0.000000e+00 : f32
        %max3A_361 = vector.broadcast %max3A_360 : f32 to vector<16xf32>
        %max3A_362 = arith.maximumf %add3A_359, %max3A_361 : vector<16xf32>
        %mul3A_363 = arith.mulf %max3A_362, %get3A_5 : vector<16xf32>
        %add3A_364 = arith.addf %add3A_352, %mul3A_363 : vector<16xf32>
        %get3A_365 = arith.index_cast %add3A_328 : i32 to index
        %get3A_366 = arith.constant 48 : index
        %get3A_367 = tpu.vector_load %arg12[%get3A_365, %get3A_366] {strides = array<i32>} : memref<128x128xf32, #tpu.memory_space<vmem>>, vector<16xf32>,
        %get3A_368 = arith.index_cast %add3A_328 : i32 to index
        %get3A_369 = arith.constant 112 : index
        %get3A_370 = tpu.vector_load %arg13[%get3A_368, %get3A_369] {strides = array<i32>} : memref<128x128xf32, #tpu.memory_space<vmem>>, vector<16xf32>,
        %add3A_371 = arith.addf %get3A_367, %get3A_370 : vector<16xf32>
        %max3A_372 = arith.constant 0.000000e+00 : f32
        %max3A_373 = vector.broadcast %max3A_372 : f32 to vector<16xf32>
        %max3A_374 = arith.maximumf %add3A_371, %max3A_373 : vector<16xf32>
        %mul3A_375 = arith.mulf %max3A_374, %get3A_7 : vector<16xf32>
        %add3A_376 = arith.addf %add3A_364, %mul3A_375 : vector<16xf32>
        %reduce_sum3A_377 = arith.constant true
        %reduce_sum3A_378 = vector.broadcast %reduce_sum3A_377 : i1 to vector<16xi1>
        %reduce_sum3A_379 = tpu.scan <sum>, %add3A_376 masked %reduce_sum3A_378 : vector<16xf32>, vector<16xi1> -> vector<16xf32>
        %reduce_sum3A_380 = vector.extract %reduce_sum3A_379[15] : f32 from vector<16xf32>
        %broadcast_in_dim3A_381 = vector.broadcast %add3A_328 : i32 to vector<16xi32>
        %broadcast_in_dim3A_382 = vector.broadcast %reduce_sum3A_380 : f32 to vector<16xf32>
        tpu.vector_store_idx %arg14[%broadcast_in_dim3A_381], %broadcast_in_dim3A_382 masked %eq3A_11 : memref<128xf32, #tpu.memory_space<vmem>>[vector<16xi32>], vector<16xf32>, vector<16xi1>
        %add3A_383 = arith.constant 5 : i32
        %add3A_384 = arith.addi %mul3A_105, %add3A_383 : i32
        %get3A_385 = arith.index_cast %add3A_384 : i32 to index
        %get3A_386 = arith.constant 0 : index
        %get3A_387 = tpu.vector_load %arg12[%get3A_385, %get3A_386] {strides = array<i32>} : memref<128x128xf32, #tpu.memory_space<vmem>>, vector<16xf32>,
        %get3A_388 = arith.index_cast %add3A_384 : i32 to index
        %get3A_389 = arith.constant 64 : index
        %get3A_390 = tpu.vector_load %arg13[%get3A_388, %get3A_389] {strides = array<i32>} : memref<128x128xf32, #tpu.memory_space<vmem>>, vector<16xf32>,
        %add3A_391 = arith.addf %get3A_387, %get3A_390 : vector<16xf32>
        %max3A_392 = arith.constant 0.000000e+00 : f32
        %max3A_393 = vector.broadcast %max3A_392 : f32 to vector<16xf32>
        %max3A_394 = arith.maximumf %add3A_391, %max3A_393 : vector<16xf32>
        %mul3A_395 = arith.mulf %max3A_394, %get3A_1 : vector<16xf32>
        %add3A_396 = arith.addf %get3A_9, %mul3A_395 : vector<16xf32>
        %get3A_397 = arith.index_cast %add3A_384 : i32 to index
        %get3A_398 = arith.constant 16 : index
        %get3A_399 = tpu.vector_load %arg12[%get3A_397, %get3A_398] {strides = array<i32>} : memref<128x128xf32, #tpu.memory_space<vmem>>, vector<16xf32>,
        %get3A_400 = arith.index_cast %add3A_384 : i32 to index
        %get3A_401 = arith.constant 80 : index
        %get3A_402 = tpu.vector_load %arg13[%get3A_400, %get3A_401] {strides = array<i32>} : memref<128x128xf32, #tpu.memory_space<vmem>>, vector<16xf32>,
        %add3A_403 = arith.addf %get3A_399, %get3A_402 : vector<16xf32>
        %max3A_404 = arith.constant 0.000000e+00 : f32
        %max3A_405 = vector.broadcast %max3A_404 : f32 to vector<16xf32>
        %max3A_406 = arith.maximumf %add3A_403, %max3A_405 : vector<16xf32>
        %mul3A_407 = arith.mulf %max3A_406, %get3A_3 : vector<16xf32>
        %add3A_408 = arith.addf %add3A_396, %mul3A_407 : vector<16xf32>
        %get3A_409 = arith.index_cast %add3A_384 : i32 to index
        %get3A_410 = arith.constant 32 : index
        %get3A_411 = tpu.vector_load %arg12[%get3A_409, %get3A_410] {strides = array<i32>} : memref<128x128xf32, #tpu.memory_space<vmem>>, vector<16xf32>,
        %get3A_412 = arith.index_cast %add3A_384 : i32 to index
        %get3A_413 = arith.constant 96 : index
        %get3A_414 = tpu.vector_load %arg13[%get3A_412, %get3A_413] {strides = array<i32>} : memref<128x128xf32, #tpu.memory_space<vmem>>, vector<16xf32>,
        %add3A_415 = arith.addf %get3A_411, %get3A_414 : vector<16xf32>
        %max3A_416 = arith.constant 0.000000e+00 : f32
        %max3A_417 = vector.broadcast %max3A_416 : f32 to vector<16xf32>
        %max3A_418 = arith.maximumf %add3A_415, %max3A_417 : vector<16xf32>
        %mul3A_419 = arith.mulf %max3A_418, %get3A_5 : vector<16xf32>
        %add3A_420 = arith.addf %add3A_408, %mul3A_419 : vector<16xf32>
        %get3A_421 = arith.index_cast %add3A_384 : i32 to index
        %get3A_422 = arith.constant 48 : index
        %get3A_423 = tpu.vector_load %arg12[%get3A_421, %get3A_422] {strides = array<i32>} : memref<128x128xf32, #tpu.memory_space<vmem>>, vector<16xf32>,
        %get3A_424 = arith.index_cast %add3A_384 : i32 to index
        %get3A_425 = arith.constant 112 : index
        %get3A_426 = tpu.vector_load %arg13[%get3A_424, %get3A_425] {strides = array<i32>} : memref<128x128xf32, #tpu.memory_space<vmem>>, vector<16xf32>,
        %add3A_427 = arith.addf %get3A_423, %get3A_426 : vector<16xf32>
        %max3A_428 = arith.constant 0.000000e+00 : f32
        %max3A_429 = vector.broadcast %max3A_428 : f32 to vector<16xf32>
        %max3A_430 = arith.maximumf %add3A_427, %max3A_429 : vector<16xf32>
        %mul3A_431 = arith.mulf %max3A_430, %get3A_7 : vector<16xf32>
        %add3A_432 = arith.addf %add3A_420, %mul3A_431 : vector<16xf32>
        %reduce_sum3A_433 = arith.constant true
        %reduce_sum3A_434 = vector.broadcast %reduce_sum3A_433 : i1 to vector<16xi1>
        %reduce_sum3A_435 = tpu.scan <sum>, %add3A_432 masked %reduce_sum3A_434 : vector<16xf32>, vector<16xi1> -> vector<16xf32>
        %reduce_sum3A_436 = vector.extract %reduce_sum3A_435[15] : f32 from vector<16xf32>
        %broadcast_in_dim3A_437 = vector.broadcast %add3A_384 : i32 to vector<16xi32>
        %broadcast_in_dim3A_438 = vector.broadcast %reduce_sum3A_436 : f32 to vector<16xf32>
        tpu.vector_store_idx %arg14[%broadcast_in_dim3A_437], %broadcast_in_dim3A_438 masked %eq3A_11 : memref<128xf32, #tpu.memory_space<vmem>>[vector<16xi32>], vector<16xf32>, vector<16xi1>
        %add3A_439 = arith.constant 6 : i32
        %add3A_440 = arith.addi %mul3A_105, %add3A_439 : i32
        %get3A_441 = arith.index_cast %add3A_440 : i32 to index
        %get3A_442 = arith.constant 0 : index
        %get3A_443 = tpu.vector_load %arg12[%get3A_441, %get3A_442] {strides = array<i32>} : memref<128x128xf32, #tpu.memory_space<vmem>>, vector<16xf32>,
        %get3A_444 = arith.index_cast %add3A_440 : i32 to index
        %get3A_445 = arith.constant 64 : index
        %get3A_446 = tpu.vector_load %arg13[%get3A_444, %get3A_445] {strides = array<i32>} : memref<128x128xf32, #tpu.memory_space<vmem>>, vector<16xf32>,
        %add3A_447 = arith.addf %get3A_443, %get3A_446 : vector<16xf32>
        %max3A_448 = arith.constant 0.000000e+00 : f32
        %max3A_449 = vector.broadcast %max3A_448 : f32 to vector<16xf32>
        %max3A_450 = arith.maximumf %add3A_447, %max3A_449 : vector<16xf32>
        %mul3A_451 = arith.mulf %max3A_450, %get3A_1 : vector<16xf32>
        %add3A_452 = arith.addf %get3A_9, %mul3A_451 : vector<16xf32>
        %get3A_453 = arith.index_cast %add3A_440 : i32 to index
        %get3A_454 = arith.constant 16 : index
        %get3A_455 = tpu.vector_load %arg12[%get3A_453, %get3A_454] {strides = array<i32>} : memref<128x128xf32, #tpu.memory_space<vmem>>, vector<16xf32>,
        %get3A_456 = arith.index_cast %add3A_440 : i32 to index
        %get3A_457 = arith.constant 80 : index
        %get3A_458 = tpu.vector_load %arg13[%get3A_456, %get3A_457] {strides = array<i32>} : memref<128x128xf32, #tpu.memory_space<vmem>>, vector<16xf32>,
        %add3A_459 = arith.addf %get3A_455, %get3A_458 : vector<16xf32>
        %max3A_460 = arith.constant 0.000000e+00 : f32
        %max3A_461 = vector.broadcast %max3A_460 : f32 to vector<16xf32>
        %max3A_462 = arith.maximumf %add3A_459, %max3A_461 : vector<16xf32>
        %mul3A_463 = arith.mulf %max3A_462, %get3A_3 : vector<16xf32>
        %add3A_464 = arith.addf %add3A_452, %mul3A_463 : vector<16xf32>
        %get3A_465 = arith.index_cast %add3A_440 : i32 to index
        %get3A_466 = arith.constant 32 : index
        %get3A_467 = tpu.vector_load %arg12[%get3A_465, %get3A_466] {strides = array<i32>} : memref<128x128xf32, #tpu.memory_space<vmem>>, vector<16xf32>,
        %get3A_468 = arith.index_cast %add3A_440 : i32 to index
        %get3A_469 = arith.constant 96 : index
        %get3A_470 = tpu.vector_load %arg13[%get3A_468, %get3A_469] {strides = array<i32>} : memref<128x128xf32, #tpu.memory_space<vmem>>, vector<16xf32>,
        %add3A_471 = arith.addf %get3A_467, %get3A_470 : vector<16xf32>
        %max3A_472 = arith.constant 0.000000e+00 : f32
        %max3A_473 = vector.broadcast %max3A_472 : f32 to vector<16xf32>
        %max3A_474 = arith.maximumf %add3A_471, %max3A_473 : vector<16xf32>
        %mul3A_475 = arith.mulf %max3A_474, %get3A_5 : vector<16xf32>
        %add3A_476 = arith.addf %add3A_464, %mul3A_475 : vector<16xf32>
        %get3A_477 = arith.index_cast %add3A_440 : i32 to index
        %get3A_478 = arith.constant 48 : index
        %get3A_479 = tpu.vector_load %arg12[%get3A_477, %get3A_478] {strides = array<i32>} : memref<128x128xf32, #tpu.memory_space<vmem>>, vector<16xf32>,
        %get3A_480 = arith.index_cast %add3A_440 : i32 to index
        %get3A_481 = arith.constant 112 : index
        %get3A_482 = tpu.vector_load %arg13[%get3A_480, %get3A_481] {strides = array<i32>} : memref<128x128xf32, #tpu.memory_space<vmem>>, vector<16xf32>,
        %add3A_483 = arith.addf %get3A_479, %get3A_482 : vector<16xf32>
        %max3A_484 = arith.constant 0.000000e+00 : f32
        %max3A_485 = vector.broadcast %max3A_484 : f32 to vector<16xf32>
        %max3A_486 = arith.maximumf %add3A_483, %max3A_485 : vector<16xf32>
        %mul3A_487 = arith.mulf %max3A_486, %get3A_7 : vector<16xf32>
        %add3A_488 = arith.addf %add3A_476, %mul3A_487 : vector<16xf32>
        %reduce_sum3A_489 = arith.constant true
        %reduce_sum3A_490 = vector.broadcast %reduce_sum3A_489 : i1 to vector<16xi1>
        %reduce_sum3A_491 = tpu.scan <sum>, %add3A_488 masked %reduce_sum3A_490 : vector<16xf32>, vector<16xi1> -> vector<16xf32>
        %reduce_sum3A_492 = vector.extract %reduce_sum3A_491[15] : f32 from vector<16xf32>
        %broadcast_in_dim3A_493 = vector.broadcast %add3A_440 : i32 to vector<16xi32>
        %broadcast_in_dim3A_494 = vector.broadcast %reduce_sum3A_492 : f32 to vector<16xf32>
        tpu.vector_store_idx %arg14[%broadcast_in_dim3A_493], %broadcast_in_dim3A_494 masked %eq3A_11 : memref<128xf32, #tpu.memory_space<vmem>>[vector<16xi32>], vector<16xf32>, vector<16xi1>
        %add3A_495 = arith.constant 7 : i32
        %add3A_496 = arith.addi %mul3A_105, %add3A_495 : i32
        %get3A_497 = arith.index_cast %add3A_496 : i32 to index
        %get3A_498 = arith.constant 0 : index
        %get3A_499 = tpu.vector_load %arg12[%get3A_497, %get3A_498] {strides = array<i32>} : memref<128x128xf32, #tpu.memory_space<vmem>>, vector<16xf32>,
        %get3A_500 = arith.index_cast %add3A_496 : i32 to index
        %get3A_501 = arith.constant 64 : index
        %get3A_502 = tpu.vector_load %arg13[%get3A_500, %get3A_501] {strides = array<i32>} : memref<128x128xf32, #tpu.memory_space<vmem>>, vector<16xf32>,
        %add3A_503 = arith.addf %get3A_499, %get3A_502 : vector<16xf32>
        %max3A_504 = arith.constant 0.000000e+00 : f32
        %max3A_505 = vector.broadcast %max3A_504 : f32 to vector<16xf32>
        %max3A_506 = arith.maximumf %add3A_503, %max3A_505 : vector<16xf32>
        %mul3A_507 = arith.mulf %max3A_506, %get3A_1 : vector<16xf32>
        %add3A_508 = arith.addf %get3A_9, %mul3A_507 : vector<16xf32>
        %get3A_509 = arith.index_cast %add3A_496 : i32 to index
        %get3A_510 = arith.constant 16 : index
        %get3A_511 = tpu.vector_load %arg12[%get3A_509, %get3A_510] {strides = array<i32>} : memref<128x128xf32, #tpu.memory_space<vmem>>, vector<16xf32>,
        %get3A_512 = arith.index_cast %add3A_496 : i32 to index
        %get3A_513 = arith.constant 80 : index
        %get3A_514 = tpu.vector_load %arg13[%get3A_512, %get3A_513] {strides = array<i32>} : memref<128x128xf32, #tpu.memory_space<vmem>>, vector<16xf32>,
        %add3A_515 = arith.addf %get3A_511, %get3A_514 : vector<16xf32>
        %max3A_516 = arith.constant 0.000000e+00 : f32
        %max3A_517 = vector.broadcast %max3A_516 : f32 to vector<16xf32>
        %max3A_518 = arith.maximumf %add3A_515, %max3A_517 : vector<16xf32>
        %mul3A_519 = arith.mulf %max3A_518, %get3A_3 : vector<16xf32>
        %add3A_520 = arith.addf %add3A_508, %mul3A_519 : vector<16xf32>
        %get3A_521 = arith.index_cast %add3A_496 : i32 to index
        %get3A_522 = arith.constant 32 : index
        %get3A_523 = tpu.vector_load %arg12[%get3A_521, %get3A_522] {strides = array<i32>} : memref<128x128xf32, #tpu.memory_space<vmem>>, vector<16xf32>,
        %get3A_524 = arith.index_cast %add3A_496 : i32 to index
        %get3A_525 = arith.constant 96 : index
        %get3A_526 = tpu.vector_load %arg13[%get3A_524, %get3A_525] {strides = array<i32>} : memref<128x128xf32, #tpu.memory_space<vmem>>, vector<16xf32>,
        %add3A_527 = arith.addf %get3A_523, %get3A_526 : vector<16xf32>
        %max3A_528 = arith.constant 0.000000e+00 : f32
        %max3A_529 = vector.broadcast %max3A_528 : f32 to vector<16xf32>
        %max3A_530 = arith.maximumf %add3A_527, %max3A_529 : vector<16xf32>
        %mul3A_531 = arith.mulf %max3A_530, %get3A_5 : vector<16xf32>
        %add3A_532 = arith.addf %add3A_520, %mul3A_531 : vector<16xf32>
        %get3A_533 = arith.index_cast %add3A_496 : i32 to index
        %get3A_534 = arith.constant 48 : index
        %get3A_535 = tpu.vector_load %arg12[%get3A_533, %get3A_534] {strides = array<i32>} : memref<128x128xf32, #tpu.memory_space<vmem>>, vector<16xf32>,
        %get3A_536 = arith.index_cast %add3A_496 : i32 to index
        %get3A_537 = arith.constant 112 : index
        %get3A_538 = tpu.vector_load %arg13[%get3A_536, %get3A_537] {strides = array<i32>} : memref<128x128xf32, #tpu.memory_space<vmem>>, vector<16xf32>,
        %add3A_539 = arith.addf %get3A_535, %get3A_538 : vector<16xf32>
        %max3A_540 = arith.constant 0.000000e+00 : f32
        %max3A_541 = vector.broadcast %max3A_540 : f32 to vector<16xf32>
        %max3A_542 = arith.maximumf %add3A_539, %max3A_541 : vector<16xf32>
        %mul3A_543 = arith.mulf %max3A_542, %get3A_7 : vector<16xf32>
        %add3A_544 = arith.addf %add3A_532, %mul3A_543 : vector<16xf32>
        %reduce_sum3A_545 = arith.constant true
        %reduce_sum3A_546 = vector.broadcast %reduce_sum3A_545 : i1 to vector<16xi1>
        %reduce_sum3A_547 = tpu.scan <sum>, %add3A_544 masked %reduce_sum3A_546 : vector<16xf32>, vector<16xi1> -> vector<16xf32>
        %reduce_sum3A_548 = vector.extract %reduce_sum3A_547[15] : f32 from vector<16xf32>
        %broadcast_in_dim3A_549 = vector.broadcast %add3A_496 : i32 to vector<16xi32>
        %broadcast_in_dim3A_550 = vector.broadcast %reduce_sum3A_548 : f32 to vector<16xf32>
        tpu.vector_store_idx %arg14[%broadcast_in_dim3A_549], %broadcast_in_dim3A_550 masked %eq3A_11 : memref<128xf32, #tpu.memory_space<vmem>>[vector<16xi32>], vector<16xf32>, vector<16xi1>
      }
      %scan3A_92 = arith.constant 16 : i32
      %mul3A_93 = arith.constant 10240 : i32
      %mul3A_94 = arith.muli %add3A, %mul3A_93 : i32
      %mul3A_95 = arith.constant 128 : i32
      %mul3A_96 = arith.muli %add3A_33, %mul3A_95 : i32
      %add3A_97 = arith.addi %mul3A_94, %mul3A_96 : i32
      %lt3A_98 = arith.constant 320000 : i32
      %lt3A_99 = arith.cmpi slt, %add3A_97, %lt3A_98 : i32
      %convert_element_type3A_100 = arith.extui %lt3A_99 : i1 to i32
      %cond3A_101 = arith.constant 0 : i32
      %cond3A_102 = arith.cmpi ne, %convert_element_type3A_100, %cond3A_101 : i32
      scf.if %cond3A_102 {
        %mul3A_103 = arith.constant 10240 : i32
        %mul3A_104 = arith.muli %add3A, %mul3A_103 : i32
        %mul3A_105 = arith.constant 128 : i32
        %mul3A_106 = arith.muli %add3A_33, %mul3A_105 : i32
        %add3A_107 = arith.addi %mul3A_104, %mul3A_106 : i32
        "tpu.region"() ({
          %run_scoped3A = tpu.sem_alloc : memref<!tpu.dma_semaphore, #tpu.memory_space<semaphore_mem>>
          %dma_start3A_108 = tpu.memref_slice %arg7[%add3A_107] : memref<320000xf32, #tpu.memory_space<hbm>> -> memref<128xf32, #tpu.memory_space<hbm>>
          %dma_start3A_109 = tpu.memref_slice %arg7[%add3A_107] : memref<320000xf32, #tpu.memory_space<hbm>> -> memref<128xf32, #tpu.memory_space<hbm>>
          tpu.enqueue_dma source(%arg14 : memref<128xf32, #tpu.memory_space<vmem>>) target(%dma_start3A_109 : memref<128xf32, #tpu.memory_space<hbm>>) target_semaphore(%run_scoped3A : memref<!tpu.dma_semaphore, #tpu.memory_space<semaphore_mem>>)
          %dma_wait3A_110 = tpu.memref_slice %arg7[%add3A_107] : memref<320000xf32, #tpu.memory_space<hbm>> -> memref<128xf32, #tpu.memory_space<hbm>>
          %dma_wait3A_111 = tpu.memref_slice %arg7[%add3A_107] : memref<320000xf32, #tpu.memory_space<hbm>> -> memref<128xf32, #tpu.memory_space<hbm>>
          tpu.wait_dma2 semaphore(%run_scoped3A : memref<!tpu.dma_semaphore, #tpu.memory_space<semaphore_mem>>) src(%arg14 : memref<128xf32, #tpu.memory_space<vmem>>) dst(%dma_wait3A_111 : memref<128xf32, #tpu.memory_space<hbm>>)
          tpu.yield
        }) : () -> ()
      } else {
      }
    }
    %scan3A_28 = arith.constant 40 : i32
    return
  }
}

module attributes {stable_mosaic.version = 14 : i64} {
  func.func @_node_body(%arg0: i32, %arg1: memref<2x1024x128xf32, #tpu.memory_space<vmem>>, %arg2: memref<1024x32xf32, #tpu.memory_space<vmem>>, %arg3: memref<128x128xf32, #tpu.memory_space<vmem>>, %arg4: memref<128xf32, #tpu.memory_space<vmem>>, %arg5: memref<128x64xf32, #tpu.memory_space<vmem>>, %arg6: memref<128x64xf32, #tpu.memory_space<vmem>>, %arg7: memref<64xf32, #tpu.memory_space<vmem>>, %arg8: memref<1024x128xf32, #tpu.memory_space<vmem>>) attributes {dimension_semantics = [#tpu.dimension_semantics<arbitrary>], iteration_bounds = array<i64: 10>, scalar_prefetch = 0 : i64, scratch_operands = 0 : i64, tpu.core_type = #tpu.core_type<tc>, window_params = [{transform_indices = @transform_0, window_bounds = array<i64: 2, 1024, 128>}, {transform_indices = @transform_1, window_bounds = array<i64: 1024, 32>}, {pipeline_mode = #tpu.pipeline_mode<synchronous>, transform_indices = @transform_2, window_bounds = array<i64: 128, 128>}, {pipeline_mode = #tpu.pipeline_mode<synchronous>, transform_indices = @transform_3, window_bounds = array<i64: 128>}, {pipeline_mode = #tpu.pipeline_mode<synchronous>, transform_indices = @transform_4, window_bounds = array<i64: 128, 64>}, {pipeline_mode = #tpu.pipeline_mode<synchronous>, transform_indices = @transform_5, window_bounds = array<i64: 128, 64>}, {pipeline_mode = #tpu.pipeline_mode<synchronous>, transform_indices = @transform_6, window_bounds = array<i64: 64>}, {transform_indices = @transform_7, window_bounds = array<i64: 1024, 128>}]} {
    %get3A = arith.constant 0 : index
    %get3A_0 = arith.constant 0 : index
    %get3A_1 = vector.load %arg2[%get3A, %get3A_0] : memref<1024x32xf32, #tpu.memory_space<vmem>>, vector<1024x32xf32>
    %reduce_sum3A = arith.constant dense<0.000000e+00> : vector<1024xf32>
    %reduce_sum3A_2 = vector.multi_reduction <add>, %get3A_1, %reduce_sum3A [1] : vector<1024x32xf32> to vector<1024xf32>
    %broadcast_in_dim3A = vector.shape_cast %reduce_sum3A_2 : vector<1024xf32> to vector<1024x1xf32>
    %max3A = arith.constant 1.000000e+00 : f32
    %max3A_3 = vector.broadcast %max3A : f32 to vector<1024x1xf32>
    %max3A_4 = arith.maximumf %broadcast_in_dim3A, %max3A_3 : vector<1024x1xf32>
    %get3A_5 = arith.constant 0 : index
    %get3A_6 = arith.constant 0 : index
    %get3A_7 = arith.constant 0 : index
    %get3A_8 = vector.load %arg1[%get3A_5, %get3A_6, %get3A_7] : memref<2x1024x128xf32, #tpu.memory_space<vmem>>, vector<1x1024x128xf32>
    %get3A_9 = vector.shape_cast %get3A_8 : vector<1x1024x128xf32> to vector<1024x128xf32>
    %get3A_10 = arith.constant 1 : index
    %get3A_11 = arith.constant 0 : index
    %get3A_12 = arith.constant 0 : index
    %get3A_13 = vector.load %arg1[%get3A_10, %get3A_11, %get3A_12] : memref<2x1024x128xf32, #tpu.memory_space<vmem>>, vector<1x1024x128xf32>
    %get3A_14 = vector.shape_cast %get3A_13 : vector<1x1024x128xf32> to vector<1024x128xf32>
    %add3A = arith.addf %get3A_9, %get3A_14 : vector<1024x128xf32>
    %div3A = vector.broadcast %max3A_4 : vector<1024x1xf32> to vector<1024x128xf32>
    %div3A_15 = arith.divf %add3A, %div3A : vector<1024x128xf32>
    %get3A_16 = arith.constant 0 : index
    %get3A_17 = arith.constant 0 : index
    %get3A_18 = vector.load %arg3[%get3A_16, %get3A_17] : memref<128x128xf32, #tpu.memory_space<vmem>>, vector<128x128xf32>
    %dot_general3A = arith.constant dense<0.000000e+00> : vector<1024x128xf32>
    %dot_general3A_19 = tpu.matmul %div3A_15, %get3A_18, %dot_general3A {dimension_numbers = #tpu.dot_dimension_numbers<[1], [0], [0], [1], [0, 0, 1, 1], [], []>, transpose_lhs_hint = false} : vector<1024x128xf32>, vector<128x128xf32>, vector<1024x128xf32> -> vector<1024x128xf32>
    %get3A_20 = arith.constant 0 : index
    %get3A_21 = vector.load %arg4[%get3A_20] : memref<128xf32, #tpu.memory_space<vmem>>, vector<128xf32>
    %broadcast_in_dim3A_22 = vector.shape_cast %get3A_21 : vector<128xf32> to vector<1x128xf32>
    %add3A_23 = vector.broadcast %broadcast_in_dim3A_22 : vector<1x128xf32> to vector<1024x128xf32>
    %add3A_24 = arith.addf %dot_general3A_19, %add3A_23 : vector<1024x128xf32>
    %max3A_25 = arith.constant 0.000000e+00 : f32
    %max3A_26 = vector.broadcast %max3A_25 : f32 to vector<1024x128xf32>
    %max3A_27 = arith.maximumf %add3A_24, %max3A_26 : vector<1024x128xf32>
    %get3A_28 = arith.constant 0 : index
    %get3A_29 = arith.constant 0 : index
    %get3A_30 = vector.load %arg5[%get3A_28, %get3A_29] : memref<128x64xf32, #tpu.memory_space<vmem>>, vector<128x64xf32>
    %dot_general3A_31 = arith.constant dense<0.000000e+00> : vector<1024x64xf32>
    %dot_general3A_32 = tpu.matmul %max3A_27, %get3A_30, %dot_general3A_31 {dimension_numbers = #tpu.dot_dimension_numbers<[1], [0], [0], [1], [0, 0, 1, 1], [], []>, transpose_lhs_hint = false} : vector<1024x128xf32>, vector<128x64xf32>, vector<1024x64xf32> -> vector<1024x64xf32>
    %get3A_33 = arith.constant 0 : index
    %get3A_34 = arith.constant 0 : index
    %get3A_35 = vector.load %arg6[%get3A_33, %get3A_34] : memref<128x64xf32, #tpu.memory_space<vmem>>, vector<128x64xf32>
    %dot_general3A_36 = arith.constant dense<0.000000e+00> : vector<1024x64xf32>
    %dot_general3A_37 = tpu.matmul %max3A_27, %get3A_35, %dot_general3A_36 {dimension_numbers = #tpu.dot_dimension_numbers<[1], [0], [0], [1], [0, 0, 1, 1], [], []>, transpose_lhs_hint = false} : vector<1024x128xf32>, vector<128x64xf32>, vector<1024x64xf32> -> vector<1024x64xf32>
    %get3A_38 = arith.constant 0 : index
    %get3A_39 = vector.load %arg7[%get3A_38] : memref<64xf32, #tpu.memory_space<vmem>>, vector<64xf32>
    %broadcast_in_dim3A_40 = vector.shape_cast %get3A_39 : vector<64xf32> to vector<1x64xf32>
    %add3A_41 = vector.broadcast %broadcast_in_dim3A_40 : vector<1x64xf32> to vector<1024x64xf32>
    %add3A_42 = arith.addf %dot_general3A_37, %add3A_41 : vector<1024x64xf32>
    %concatenate3A = tpu.concatenate %dot_general3A_32, %add3A_42 in 1 : vector<1024x64xf32>, vector<1024x64xf32> -> vector<1024x128xf32>
    %swap3A = arith.constant 0 : index
    %swap3A_43 = arith.constant 0 : index
    %swap3A_44 = vector.load %arg8[%swap3A, %swap3A_43] : memref<1024x128xf32, #tpu.memory_space<vmem>>, vector<1024x128xf32>
    tpu.vector_store %arg8[%swap3A, %swap3A_43], %concatenate3A {strides = array<i32>} : memref<1024x128xf32, #tpu.memory_space<vmem>>, vector<1024x128xf32>,
    return
  }
  func.func @transform_0(%arg0: i32) -> (i32, i32, i32) {
    %c0_i32 = arith.constant 0 : i32
    %c0_i32_0 = arith.constant 0 : i32
    %c0_i32_1 = arith.constant 0 : i32
    return %c0_i32, %arg0, %c0_i32_0 : i32, i32, i32
  }
  func.func @transform_1(%arg0: i32) -> (i32, i32) {
    %c0_i32 = arith.constant 0 : i32
    %c0_i32_0 = arith.constant 0 : i32
    return %arg0, %c0_i32 : i32, i32
  }
  func.func @transform_2(%arg0: i32) -> (i32, i32) {
    %c0_i32 = arith.constant 0 : i32
    %c0_i32_0 = arith.constant 0 : i32
    %c0_i32_1 = arith.constant 0 : i32
    return %c0_i32, %c0_i32_0 : i32, i32
  }
  func.func @transform_3(%arg0: i32) -> i32 {
    %c0_i32 = arith.constant 0 : i32
    %c0_i32_0 = arith.constant 0 : i32
    return %c0_i32 : i32
  }
  func.func @transform_4(%arg0: i32) -> (i32, i32) {
    %c0_i32 = arith.constant 0 : i32
    %c0_i32_0 = arith.constant 0 : i32
    %c0_i32_1 = arith.constant 0 : i32
    return %c0_i32, %c0_i32_0 : i32, i32
  }
  func.func @transform_5(%arg0: i32) -> (i32, i32) {
    %c0_i32 = arith.constant 0 : i32
    %c0_i32_0 = arith.constant 0 : i32
    %c0_i32_1 = arith.constant 0 : i32
    return %c0_i32, %c0_i32_0 : i32, i32
  }
  func.func @transform_6(%arg0: i32) -> i32 {
    %c0_i32 = arith.constant 0 : i32
    %c0_i32_0 = arith.constant 0 : i32
    return %c0_i32 : i32
  }
  func.func @transform_7(%arg0: i32) -> (i32, i32) {
    %c0_i32 = arith.constant 0 : i32
    %c0_i32_0 = arith.constant 0 : i32
    return %arg0, %c0_i32 : i32, i32
  }
}

</mosaic_0001>

<sc_bundles>
// kernel: kernel.5.cloned.1.call-start
scs
__scs_entry_jumppad:
0x0: {  	(pc) =	sbr.rel $0x88, $3  }
0x1: {  	(tag) =	ssettag $0x0;
	lr =	simm.s32 $0x1  }
0x2: {  	[smem:$0x3F99] =	sst lr;
	_ =	strace $0xD0000000  }
0x3: {  	_ = 	snop  }
0x4: {  	_ = 	snop  }
0x5: {  	_ = 	snop  }
0x6: {  	_ = 	snop  }
0x7: {  	_ = 	snop  }
__scs_overlays_trampoline_lowered:
0x8: {  	[smem:$0x3FA8] =	sst s0  }
0x9: {  	[smem:$0x3FA9] =	sst s1  }
0xa: {  	[smem:$0x3FAA] =	sst s2  }
0xb: {  	[smem:$0x3FAB] =	sst s3  }
0xc: {  	[smem:$0x3FAC] =	sst s4  }
0xd: {  	[smem:$0x3FAD] =	sst s5  }
0xe: {  	[smem:$0x3FAE] =	sst s6  }
0xf: {  	[smem:$0x3FAF] =	sst s7  }
0x10: {  	[smem:$0x3FB0] =	sst s8  }
0x11: {  	[smem:$0x3FB1] =	sst s9;
	s0 =	simm.s32 @!p0 $0x0  }
0x12: {  	s1 =	sld [smem:$0x3F97];
	s0 =	simm.s32 @p0 $0x1  }
0x13: {  	[smem:$0x3FB2] =	sst s0;
	s0 =	simm.s32 @!p1 $0x0  }
0x14: {  	s2 =	sld [smem:$0x3F96];
	s0 =	simm.s32 @p1 $0x1  }
0x15: {  	[smem:$0x3FB3] =	sst s0;
	s0 =	simm.s32 @!p2 $0x0  }
0x16: {  	s3 =	sld [smem:$0x3FDB];
	s0 =	simm.s32 @p2 $0x1  }
0x17: {  	s4 =	simm.s32 $0x1BF5;
	[smem:$0x3FB5] =	sst s0  }
0x18: {  	s0 =	sld [smem:$0x3F98];
	_ =	swait.ge [sflag:s4], $0x0  }
0x19: {  	s7 =	sld [smem:$0x3F99]  }
0x1a: {  	s8 =	sadd.s32 $0xFFFFE003, lr  }
0x1b: {  	s9 =	sadd.s32 $0xFFFFFEF7, lr;
	s5 =	simm.s32 $0xFFFFFFFF;
	p2 =	slt.u32 s8, $0xFFFFF086  }
0x1c: {  	p1 =	slt.u32 s9, $0xF7A;
	s5 =	simm.s32 @!p2 $0x0  }
0x1d: {  	s5 =	simm.s32 @p1 $0x1;
	p0 =	seq.s32 s7, s2  }
0x1e: {  	s7 =	smul.u32 @!p0 $0xF7A, s2;
	p2 =	seq.s32 @!p0 s5, $0x0  }
0x1f: {  	s9 =	smul.u32 $0xF7A, s1;
	s8 =	simm.s32 @!p0 $0x1BF5;
	p2 =	por !p2, p0  }
0x20: {  	[sflag:s8] =	ssyncset.s32 @!p0 $0xFFFFF086;
	s6 =	sadd.s32 @!p0 s3, s7;
	s7 =	simm.s32 @!p0 $0x108  }
0x21: {  	s3 =	sadd.s32 s3, s9;
	s6 =	sadd.s32 @!p0 $0x88, s6;
	s7 =	simm.s32 @p2 $0x1082  }
0x22: {  	[simem:s7], [sflag:s8] =	dma.local @!p0 [hbm:s6], $0xF7A  }
0x23: {  	s9 =	sor.u32 $0xD0000000, s2;
	s6 =	simm.s32 $0x108;
	_ =	swait.ge @!p0 [sflag:s8], $0x0  }
0x24: {  	s3 =	sadd.s32 $0x88, s3;
	s6 =	simm.s32 @!p1 $0x1082;
	[sflag:s4] =	ssyncset.s32 $0xFFFFF086  }
0x25: {  	[simem:s6], [sflag:s4] =	dma.local [hbm:s3], $0xF7A  }
0x26: {  	[smem:$0x3F99] =	sst s1;
	(tag) =	ssettag s2;
	_ =	strace s9  }
0x27: {  	s1 =	sld [smem:$0x3FA9]  }
0x28: {  	s2 =	sld [smem:$0x3FAA]  }
0x29: {  	s4 =	sld [smem:$0x3FAC]  }
0x2a: {  	p0 =	seq.s32 s5, $0x0;
	s5 =	sld [smem:$0x3FAD]  }
0x2b: {  	s6 =	sld [smem:$0x3FAE]  }
0x2c: {  	s7 =	sld [smem:$0x3FAF]  }
0x2d: {  	s3 =	simm.s32 $0x108;
	s8 =	sld [smem:$0x3FB0]  }
0x2e: {  	s3 =	simm.s32 @!p0 $0x1082;
	s9 =	sld [smem:$0x3FB1]  }
0x2f: {  	lr =	sadd.s32 s0, s3;
	s0 =	sld [smem:$0x3FA8]  }
0x30: {  	s3 =	sld [smem:$0x3FAB]  }
0x31: {  	[smem:$0x3FB4] =	sst s10  }
0x32: {  	s10 =	sld [smem:$0x3FB2];
	_ =	sdelay $0x3  }
0x33: {  	p0 =	seq.s32 s10, $0x1;
	s10 =	sld [smem:$0x3FB4];
	_ =	sdelay $0x3  }
0x34: {  	[smem:$0x3FB4] =	sst s10  }
0x35: {  	s10 =	sld [smem:$0x3FB3];
	_ =	sdelay $0x3  }
0x36: {  	p1 =	seq.s32 s10, $0x1;
	s10 =	sld [smem:$0x3FB4];
	_ =	sdelay $0x3  }
0x37: {  	[smem:$0x3FB4] =	sst s10  }
0x38: {  	s10 =	sld [smem:$0x3FB5]  }
0x39: {  	_ = 	snop;
	(pc) =	sbr.ind lr, $3  }
0x3a: {  	_ = 	snop  }
0x3b: {  	_ = 	snop  }
0x3c: {  	p2 =	seq.s32 s10, $0x1;
	s10 =	sld [smem:$0x3FB4]  }
0x3d: {  	_ =	shalt  }
0x3e: {  	_ =	shalt  }
0x3f: {  	_ =	shalt  }
0x40: {  	_ =	shalt  }
0x41: {  	_ =	shalt  }
0x42: {  	_ =	shalt  }
0x43: {  	_ =	shalt  }
0x44: {  	_ =	shalt  }
0x45: {  	_ =	shalt  }
0x46: {  	_ =	shalt  }
0x47: {  	_ =	shalt  }
0x48: {  	_ =	shalt  }
0x49: {  	_ =	shalt  }
0x4a: {  	_ =	shalt  }
0x4b: {  	_ =	shalt  }
0x4c: {  	_ =	shalt  }
0x4d: {  	_ =	shalt  }
0x4e: {  	_ =	shalt  }
0x4f: {  	_ =	shalt  }
0x50: {  	_ =	shalt  }
0x51: {  	_ =	shalt  }
0x52: {  	_ =	shalt  }
0x53: {  	_ =	shalt  }
0x54: {  	_ =	shalt  }
0x55: {  	_ =	shalt  }
0x56: {  	_ =	shalt  }
0x57: {  	_ =	shalt  }
0x58: {  	_ =	shalt  }
0x59: {  	_ =	shalt  }
0x5a: {  	_ =	shalt  }
0x5b: {  	_ =	shalt  }
0x5c: {  	_ =	shalt  }
0x5d: {  	_ =	shalt  }
0x5e: {  	_ =	shalt  }
0x5f: {  	_ =	shalt  }
0x60: {  	_ =	shalt  }
0x61: {  	_ =	shalt  }
0x62: {  	_ =	shalt  }
0x63: {  	_ =	shalt  }
0x64: {  	_ =	shalt  }
0x65: {  	_ =	shalt  }
0x66: {  	_ =	shalt  }
0x67: {  	_ =	shalt  }
0x68: {  	_ =	shalt  }
0x69: {  	_ =	shalt  }
0x6a: {  	_ =	shalt  }
0x6b: {  	_ =	shalt  }
0x6c: {  	_ =	shalt  }
0x6d: {  	_ =	shalt  }
0x6e: {  	_ =	shalt  }
0x6f: {  	_ =	shalt  }
0x70: {  	_ =	shalt  }
0x71: {  	_ =	shalt  }
0x72: {  	_ =	shalt  }
0x73: {  	_ =	shalt  }
0x74: {  	_ =	shalt  }
0x75: {  	_ =	shalt  }
0x76: {  	_ =	shalt  }
0x77: {  	_ =	shalt  }
0x78: {  	_ =	shalt  }
0x79: {  	_ =	shalt  }
0x7a: {  	_ =	shalt  }
0x7b: {  	_ =	shalt  }
0x7c: {  	_ =	shalt  }
0x7d: {  	_ =	shalt  }
0x7e: {  	_ =	shalt  }
0x7f: {  	_ =	shalt  }
0x80: {  	_ =	shalt  }
0x81: {  	_ =	shalt  }
0x82: {  	_ =	shalt  }
0x83: {  	_ =	shalt  }
0x84: {  	_ =	shalt  }
0x85: {  	_ =	shalt  }
0x86: {  	_ =	shalt  }
0x87: {  	_ =	shalt  }
.Lfunc_end0:
.L_simem_size_0:
called_computation_lowered:
.L_overlay_start_0:
0x88: {  	s2 =	sld [smem:$0x3FD9]  }
0x89: {  	s3 =	sld [smem:$0x3FFE];
	_ =	sdelay $0x1  }
0x8a: {  	s1 =	srdreg.scid  }
0x8b: {  	s0 =	sand.u32 $0x1, s1  }
0x8c: {  	s17 =	sshll.u32 s0, $0xA;
	s2 =	sadd.s32 s3, s2  }
0x8d: {  	s2 =	sadd.s32 s2, s17  }
0x8e: {  	[smem:$0x3FC0] =	sst s2  }
0x8f: {  	_ = 	snop  }
0x90: {  	s2 =	sld [smem:$0x3FC9];
	(tm) =	ssettm $0x1  }
0x91: {  	s18 =	sld [smem:$0x3FFB];
	_ =	sdelay $0x3  }
0x92: {  	_ =	strace s18  }
0x93: {  	s3 =	sld [smem:$0x3FFC];
	_ =	sdelay $0x3  }
0x94: {  	_ =	strace s3  }
0x95: {  	s3 =	sld [smem:$0x3FFD];
	_ =	sdelay $0x3  }
0x96: {  	_ =	strace s3  }
0x97: {  	_ =	strace $0x8FFFFFFF  }
0x98: {  	s19 =	sld [smem:$0x3FDB];
	_ =	sdelay $0x1  }
0x99: {  	s4 =	simm.s32 $_scs_section_size  }
0x9a: {  	s5 =	simm.s32 $_size__tile_overlayer_lowered;
	s6 =	simm.s32 $_tile_overlayer_lowered  }
0x9b: {  	s22 =	simm.s32 $0x1BFF;
	s21 =	sshll.u32 s6, $0x1;
	s3 =	sadd.s32 s4, s19  }
0x9c: {  	s7 =	simm.s32 $0x0;
	s20 =	sshll.u32 s5, $0x1;
	s5 =	sadd.s32 s21, s3  }
0x9d: {  	[timem:s7], [sflag:s22] =	dma.local [hbm:s5], s20  }
0x9e: {  	_ =	swait.ge [sflag:s22], s20  }
0x9f: {  	s4 =	ssub.s32 $0x0, s20;
	[sflag:s22] =	ssyncset.done $0x0  }
0xa0: {  	[sflag:s22] =	ssyncadd.s32 s4;
	_ =	sdelay $0x1  }
0xa1: {  	s23 =	simm.s32 $0x1B8B  }
0xa2: {  	_ =	swait.ge [sflag:s23], $0x1  }
0xa3: {  	[sflag:s23] =	ssyncset.done $0x0  }
0xa4: {  	s25 =	simm.s32 $0x1B8E;
	s24 =	sld [smem:$0x3FFE];
	[sflag:s23] =	ssyncadd.s32 $0xFFFFFFFF  }
0xa5: {  	s26 =	simm.s32 $execute0_lowered;
	[smem:$0x3FD2] =	sst s25  }
0xa6: {  	s5 =	sshll.u32 s26, $0x1;
	_ =	strace $0x80000046;
	[dreg:$0x1] =	wrdreg $0xFFFFFFFF  }
0xa7: {  	s28 =	simm.s32 $_size_execute0_lowered;
	s3 =	sadd.s32 s3, s5;
	[dreg:$0x0] =	wrdreg $0x0  }
0xa8: {  	s5 =	sshll.u32 s28, $0x1;
	[dreg:$0x2] =	wrdreg s3  }
0xa9: {  	[dreg:$0x3] =	wrdreg s5  }
0xaa: {  	[dreg:$0x4] =	wrdreg $0xC0  }
0xab: {  	_ =	task [dreg:s7], $0x5FFFF  }
0xac: {  	[dreg:$0x1] =	wrdreg $0xFFFFFFFF  }
0xad: {  	[dreg:$0x0] =	wrdreg $0x60  }
0xae: {  	[dreg:$0x2] =	wrdreg s2  }
0xaf: {  	[dreg:$0x3] =	wrdreg s24  }
0xb0: {  	[dreg:$0x4] =	wrdreg $0xB8000  }
0xb1: {  	[dreg:$0x5] =	wrdreg $0x9  }
0xb2: {  	_ =	task.clear_ibuf [dreg:s7], $0x6FFFF;
	_ =	strace $0x90000046  }
0xb3: {  	s29 =	simm.s32 $0x9;
	_ =	strace $0x80000048  }
0xb4: {  	_ =	swait.ge [sflag:s29], $0x1  }
0xb5: {  	[sflag:s29] =	ssyncadd.s32 $0xFFFFFFFF  }
0xb6: {  	_ =	strace $0x90000048  }
0xb7: {  	_ =	sfence  }
0xb8: {  	s30 =	sld [smem:$0x0];
	_ =	sdelay $0x2  }
0xb9: {  	s31 =	sshll.u32 s1, $0xD;
	s1 =	sshrl.u32 s1, $0x2  }
0xba: {  	s3 =	sand.u32 $0x4000, s31;
	s1 =	sadd.s32 s1, s30  }
0xbb: {  	s0 =	sor.u32 s3, s0;
	s1 =	sshll.u32 s1, $0x11  }
0xbc: {  	s0 =	sor.u32 s1, s0  }
0xbd: {  	s0 =	sadd.s32 $0x8F2B, s0  }
0xbe: {  	[sflag:s0] =	ssyncadd.remote.s32 $0x1  }
0xbf: {  	_ =	sfence.sel $0xFFFF  }
0xc0: {  	[dreg:$0x0] =	wrdreg $0xFFFFFFFF;
	(pc) =	sbr.abs _section_cstart, $3  }
0xc1: {  	[dreg:$0x1] =	wrdreg $0xFFFFFFFF  }
0xc2: {  	_ =	task.clear_ibuf [dreg:s7], $0x2FFFF;
	_ =	strace $0x9FFFFFFF  }
0xc3: {  	(tm) =	ssettm $0x7FFFFFFF  }
tec
execute0_lowered:
.L_overlay_start_1:
0x0: {  	(tag) =	ssettag $0x1  }
0x1: {  	s1 =	rddreg [dreg:$0x0]  }
0x2: {  	s5 =	rddreg [dreg:$0x1]  }
0x3: {  	s2 =	rddreg [dreg:$0x2];
	s3 =	srdreg.scid  }
0x4: {  	s0 =	rddreg [dreg:$0x3];
	s4 =	simm.s32 $0x0;
	s15 =	simm.s32 $0x2  }
0x5: {  	s16 =	simm.s32 $0x2800;
	s17 =	simm.s32 $0x5000;
	s18 =	simm.s32 $0x80  }
0x6: {  	s19 =	simm.s32 $0x9000;
	s6 =	sand.u32 $0x1, s3;
	s3 =	stileid.u32  }
0x7: {  	s20 =	simm.s32 $0x1;
	[smem:$0x7FF] =	sst s4;
	s7 =	smul.u32 $0x140000, s6  }
0x8: {  	s22 =	simm.s32 $0x0;
	s8 =	smul.u32 $0x14000, s3;
	_ =	strace $0x80000047  }
0x9: {  	s9 =	sshll.u32 s3, $0x1;
	s30 =	smul.u32 $0x50000, s3;
	s21 =	sshll.u32 s3, $0x6  }
0xa: {  	s29 =	sor.u32 s6, s9;
	s6 =	ssub.s32 $0x2, s6;
	s21 =	sor.u32 $0x1C02, s21  }
0xb: {  	s7 =	sadd.s32 s8, s7;
	s8 =	smul.u32 $0x500, s29;
	s31 =	sshrl.u32 s6, $0x1  }
0xc: {  	s9 =	sshrl.u32 s30, $0x2;
	s7 =	sshrl.u32 s7, $0x3;
	s14 =	ssub.s32 s6, s31  }
0xd: {  	s12 =	sadd.s32 s7, s5;
	s13 =	sadd.s32 s8, s5;
	s5 =	sadd.s32 s9, s2  }
0xe: {  	s14 =	smax.u32 s14, $0x1;
	s6 =	sadd.s32 $0x1400, s13;
	s7 =	sadd.s32 $0xB400, s13  }
0xf: {  	s8 =	sadd.s32 $0x4000, s5;
	s9 =	sadd.s32 $0x8000, s5;
	s10 =	sadd.s32 $0xC000, s5  }
0x10: {  	v0 =	vimm.f32 $0.0e+00;
	s11 =	sadd.s32 $0x10000, s5;
	s12 =	sadd.s32 $0x1F400, s12;
	s13 =	sadd.s32 $0x15400, s13  }
.LBB2_1:
0x11: {  	[tilespmem:s4], [sflag:$0x2] =	stream.linear.gather [hbm4b:s6+s4], $0x2800, $0x38;
	[tilespmem:$0x1F800] =	vst v63  }
0x12: {  	_ =	swait.ge [sflag:s15], $0x2800  }
0x13: {  	[sflag:s15] =	ssyncset.done $0x0  }
0x14: {  	[sflag:s15] =	ssyncadd.s32 $0xFFFFD800  }
0x15: {  	[tilespmem:s16], [sflag:$0x2] =	stream.linear.gather [hbm4b:s7+s4], $0x2800, $0x38;
	[tilespmem:$0x1F800] =	vst v63  }
0x16: {  	_ =	swait.ge [sflag:s15], $0x2800  }
0x17: {  	[sflag:s15] =	ssyncset.done $0x0  }
0x18: {  	s23 =	simm.s32 $0x0;
	s24 =	simm.s32 $0x200;
	[sflag:s15] =	ssyncadd.s32 $0xFFFFD800  }
.LBB2_2:
0x19: {  	p0 =	sne.s32 s24, $0xFE00;
	[tilespmem:s23+$0x5070] =	vst v0  }
0x1a: {  	[tilespmem:s23+$0x5000] =	vst v0  }
0x1b: {  	[tilespmem:s23+$0x5010] =	vst v0  }
.Ltmp0:
0x1c: {  	[tilespmem:s23+$0x5020] =	vst v0;
	(pc) =	sbr.rel @p0 .LBB2_2-.Ltmp0, $4  }
0x1d: {  	[tilespmem:s23+$0x5030] =	vst v0  }
0x1e: {  	[tilespmem:s23+$0x5040] =	vst v0  }
0x1f: {  	[tilespmem:s23+$0x5050] =	vst v0  }
0x20: {  	[tilespmem:s23+$0x5060] =	vst v0;
	s23 =	sshra.s32 s24, $0x2;
	s24 =	sadd.s32 $0x200, s24  }
0x21: {  	[tilespmem:s23+$0x5070] =	vst v0  }
0x22: {  	[tilespmem:s23+$0x5000] =	vst v0  }
0x23: {  	[tilespmem:s23+$0x5010] =	vst v0  }
0x24: {  	[tilespmem:s23+$0x5020] =	vst v0  }
0x25: {  	[tilespmem:s23+$0x5030] =	vst v0  }
0x26: {  	[tilespmem:s23+$0x5040] =	vst v0  }
0x27: {  	[tilespmem:s23+$0x5050] =	vst v0  }
0x28: {  	[tilespmem:s23+$0x5060] =	vst v0;
	s23 =	simm.s32 $0x40;
	s24 =	simm.s32 $0x0  }
.LBB2_4:
0x29: {  	p0 =	sne.s32 s23, $0x9FC0;
	[tilespmem:s24+$0x9000] =	vst v0;
	s24 =	smov.u32 s23;
	s23 =	sadd.s32 $0x40, s23  }
.Ltmp1:
0x2a: {  	(pc) =	sbr.rel @p0 .LBB2_4-.Ltmp1, $2  }
0x2b: {  	_ =	sdelay $0x2  }
0x2c: {  	s24 =	sshra.s32 s24, $0x2  }
0x2d: {  	[tilespmem:s24+$0x9000] =	vst v0  }
0x2e: {  	[spmem:s5] =	stream.linear.scatter [tilespmem:s17], [sflag:$0x2], $0x4000, $0x38;
	[tilespmem:$0x1F800] =	vst v63  }
0x2f: {  	_ =	swait.ge [sflag:s15], $0x4000  }
0x30: {  	[sflag:s15] =	ssyncset.done $0x0  }
0x31: {  	[sflag:s15] =	ssyncadd.s32 $0xFFFFC000  }
0x32: {  	[spmem:s8] =	stream.linear.scatter [tilespmem:s17], [sflag:$0x2], $0x4000, $0x38;
	[tilespmem:$0x1F800] =	vst v63  }
0x33: {  	_ =	swait.ge [sflag:s15], $0x4000  }
0x34: {  	[sflag:s15] =	ssyncset.done $0x0  }
0x35: {  	[sflag:s15] =	ssyncadd.s32 $0xFFFFC000  }
0x36: {  	[spmem:s9] =	stream.linear.scatter [tilespmem:s17], [sflag:$0x2], $0x4000, $0x38;
	[tilespmem:$0x1F800] =	vst v63  }
0x37: {  	_ =	swait.ge [sflag:s15], $0x4000  }
0x38: {  	[sflag:s15] =	ssyncset.done $0x0  }
0x39: {  	[sflag:s15] =	ssyncadd.s32 $0xFFFFC000  }
0x3a: {  	[spmem:s10] =	stream.linear.scatter [tilespmem:s17], [sflag:$0x2], $0x4000, $0x38;
	[tilespmem:$0x1F800] =	vst v63  }
0x3b: {  	_ =	swait.ge [sflag:s15], $0x4000  }
0x3c: {  	[sflag:s15] =	ssyncset.done $0x0  }
0x3d: {  	[sflag:s15] =	ssyncadd.s32 $0xFFFFC000  }
0x3e: {  	[spmem:s11] =	stream.linear.scatter [tilespmem:s17], [sflag:$0x2], $0x4000, $0x38;
	[tilespmem:$0x1F800] =	vst v63  }
0x3f: {  	_ =	swait.ge [sflag:s15], $0x4000  }
0x40: {  	[sflag:s15] =	ssyncset.done $0x0  }
0x41: {  	[sflag:s15] =	ssyncadd.s32 $0xFFFFC000  }
0x42: {  	s23 =	simm.s32 $0x0;
	[bflag:$0x0] =	sbarrier.arrive $0xFFFF  }
.LBB2_6:
0x43: {  	s24 =	sshra.s32 s23, $0x2  }
0x44: {  	[tilespmem:s17], [sflag:$0x1] =	stream.indirect.gather [hbm4b:s1+s18], $0x80, s24, s18, $0xb8;
	[tilespmem:$0x1F800] =	vst v63  }
0x45: {  	v1 =	vld [tilespmem:s24+$0x2800];
	_ =	sdelay $0x4  }
0x46: {  	(xrf1) =	vunique.msk.u32 $0xffff, v1;
	_ =	sdelay $0xd  }
0x47: {  	_, v2, vm0 =	vpop (xrf1);
	_ =	sdelay $0x3  }
0x48: {  	v2 =	vcvt.s32.f32 v2;
	_ =	sdelay $0x1  }
0x49: {  	[tilespmem:v1+s19+$0x0] =	vst.idx.add.f32.msk vm0, v2  }
0x4a: {  	v1 =	vld [tilespmem:s24+$0x2810];
	_ =	sdelay $0x4  }
0x4b: {  	(xrf1) =	vunique.msk.u32 $0xffff, v1;
	_ =	sdelay $0xd  }
0x4c: {  	_, v2, vm0 =	vpop (xrf1);
	_ =	sdelay $0x3  }
0x4d: {  	v2 =	vcvt.s32.f32 v2;
	_ =	sdelay $0x1  }
0x4e: {  	[tilespmem:v1+s19+$0x0] =	vst.idx.add.f32.msk vm0, v2  }
0x4f: {  	v1 =	vld [tilespmem:s24+$0x2820];
	_ =	sdelay $0x4  }
0x50: {  	(xrf1) =	vunique.msk.u32 $0xffff, v1;
	_ =	sdelay $0xd  }
0x51: {  	_, v2, vm0 =	vpop (xrf1);
	_ =	sdelay $0x3  }
0x52: {  	v2 =	vcvt.s32.f32 v2;
	_ =	sdelay $0x1  }
0x53: {  	[tilespmem:v1+s19+$0x0] =	vst.idx.add.f32.msk vm0, v2  }
0x54: {  	v1 =	vld [tilespmem:s24+$0x2830];
	_ =	sdelay $0x4  }
0x55: {  	(xrf1) =	vunique.msk.u32 $0xffff, v1;
	_ =	sdelay $0xd  }
0x56: {  	_, v2, vm0 =	vpop (xrf1);
	_ =	sdelay $0x3  }
0x57: {  	v2 =	vcvt.s32.f32 v2;
	_ =	sdelay $0x1  }
0x58: {  	[tilespmem:v1+s19+$0x0] =	vst.idx.add.f32.msk vm0, v2  }
0x59: {  	v1 =	vld [tilespmem:s24+$0x2840];
	_ =	sdelay $0x4  }
0x5a: {  	(xrf1) =	vunique.msk.u32 $0xffff, v1;
	_ =	sdelay $0xd  }
0x5b: {  	_, v2, vm0 =	vpop (xrf1);
	_ =	sdelay $0x3  }
0x5c: {  	v2 =	vcvt.s32.f32 v2;
	_ =	sdelay $0x1  }
0x5d: {  	[tilespmem:v1+s19+$0x0] =	vst.idx.add.f32.msk vm0, v2  }
0x5e: {  	v1 =	vld [tilespmem:s24+$0x2850];
	_ =	sdelay $0x4  }
0x5f: {  	(xrf1) =	vunique.msk.u32 $0xffff, v1;
	_ =	sdelay $0xd  }
0x60: {  	_, v2, vm0 =	vpop (xrf1);
	_ =	sdelay $0x3  }
0x61: {  	v2 =	vcvt.s32.f32 v2;
	_ =	sdelay $0x1  }
0x62: {  	[tilespmem:v1+s19+$0x0] =	vst.idx.add.f32.msk vm0, v2  }
0x63: {  	v1 =	vld [tilespmem:s24+$0x2860];
	_ =	sdelay $0x4  }
0x64: {  	(xrf1) =	vunique.msk.u32 $0xffff, v1;
	_ =	sdelay $0xd  }
0x65: {  	_, v2, vm0 =	vpop (xrf1);
	_ =	sdelay $0x3  }
0x66: {  	v2 =	vcvt.s32.f32 v2;
	_ =	sdelay $0x1  }
0x67: {  	[tilespmem:v1+s19+$0x0] =	vst.idx.add.f32.msk vm0, v2  }
0x68: {  	v1 =	vld [tilespmem:s24+$0x2870];
	_ =	sdelay $0x4  }
0x69: {  	(xrf1) =	vunique.msk.u32 $0xffff, v1;
	_ =	sdelay $0xd  }
0x6a: {  	_, v2, vm0 =	vpop (xrf1);
	_ =	sdelay $0x3  }
0x6b: {  	v2 =	vcvt.s32.f32 v2;
	_ =	sdelay $0x1  }
0x6c: {  	[tilespmem:v1+s19+$0x0] =	vst.idx.add.f32.msk vm0, v2  }
0x6d: {  	_ =	swait.ge [sflag:s20], $0x4000  }
0x6e: {  	p0 =	sne.s32 s23, $0x9E00;
	[sflag:s20] =	ssyncset.done $0x0  }
.Ltmp2:
0x6f: {  	s24 =	sadd.s32 $0x2800, s24;
	[sflag:s20] =	ssyncadd.s32 $0xFFFFC000;
	(pc) =	sbr.rel @p0 .LBB2_6-.Ltmp2, $4  }
0x70: {  	[spmem:s2] =	stream.indirect.scatter.add.f32 [tilespmem:s17], [sflag:$0x2], $0x80, s24, s18, $0xb8;
	[tilespmem:$0x1F800] =	vst v63  }
0x71: {  	_ =	swait.ge [sflag:s15], $0x4000  }
0x72: {  	[sflag:s15] =	ssyncset.done $0x0  }
0x73: {  	s23 =	sadd.s32 $0x200, s23;
	[sflag:s15] =	ssyncadd.s32 $0xFFFFC000  }
0x74: {  	[bflag:$0x0] =	sbarrier.arrive $0xFFFF;
	s23 =	sshrl.u32 s5, $0x3  }
0x75: {  	[hbm:s12], [sflag:s21] =	dma.local [spmem:s23], $0x2800  }
0x76: {  	s22 =	sadd.s32 $0x1, s22;
	_ =	swait.ge [sflag:s15], $0x2800  }
0x77: {  	p0 =	sne.s32 s22, s14;
	[sflag:s15] =	ssyncset.done $0x0  }
.Ltmp3:
0x78: {  	[sflag:s15] =	ssyncadd.s32 $0xFFFFD800;
	(pc) =	sbr.rel @p0 .LBB2_1-.Ltmp3, $4  }
0x79: {  	[hbm4b:s13+s4] =	stream.linear.scatter [tilespmem:s19], [sflag:$0x2], $0x2800, $0x38;
	[tilespmem:$0x1F800] =	vst v63  }
0x7a: {  	_ =	swait.ge [sflag:s15], $0x2800  }
0x7b: {  	[sflag:s15] =	ssyncset.done $0x0  }
0x7c: {  	[sflag:s15] =	ssyncadd.s32 $0xFFFFD800  }
0x7d: {  	_ =	sfence.sel $0x180000  }
0x7e: {  	[bflag:$0x0] =	sbarrier.arrive $0xFFFF  }
0x7f: {  	p0 =	sne.s32 s3, $0x0;
	_ =	strace $0x90000047  }
0x80: {  	s0 =	sadd.s32 @!p0 $0x100000, s0;
	[bflag:$0x2] =	sbarrier.arrive $0xFFFF  }
0x81: {  	[sflag:s0] =	ssyncadd.tile.s32 @!p0 $0x1;
	_ =	shalt  }
.Lfunc_end2:
_tile_overlayer_lowered:
.L_overlay_start_2:
0x82: {  	(tag) =	ssettag $0x2  }
0x83: {  	s0 =	rddreg [dreg:$0x0];
	s2 =	stileid.u32  }
0x84: {  	s1 =	rddreg [dreg:$0x1];
	p0 =	sne.s32 s2, $0x0  }
0x85: {  	s3 =	rddreg [dreg:$0x2];
	[bflag:$0x3] =	sbarrier.arrive $0xFFFF;
	s2 =	simm.s32 @!p0 $0x1C02  }
0x86: {  	[timem:s3], [sflag:s2] =	dma.local @!p0 [hbm:s0], s1  }
0x87: {  	s0 =	simm.s32 @!p0 $0x2  }
0x88: {  	_ =	swait.ge @!p0 [sflag:s0], s1  }
0x89: {  	s1 =	ssub.s32 @!p0 $0x0, s1;
	[sflag:s0] =	ssyncset.done @!p0 $0x0  }
0x8a: {  	[sflag:s0] =	ssyncadd.s32 @!p0 s1  }
0x8b: {  	[bflag:$0x3] =	sbarrier.arrive $0xFFFF  }
0x8c: {  	_ =	shalt  }

// kernel: kernel.8.cloned.1.call-start
scs
__scs_entry_jumppad:
0x0: {  	(pc) =	sbr.rel $0x88, $3  }
0x1: {  	(tag) =	ssettag $0x0;
	lr =	simm.s32 $0x1  }
0x2: {  	[smem:$0x3F99] =	sst lr;
	_ =	strace $0xD0000000  }
0x3: {  	_ = 	snop  }
0x4: {  	_ = 	snop  }
0x5: {  	_ = 	snop  }
0x6: {  	_ = 	snop  }
0x7: {  	_ = 	snop  }
__scs_overlays_trampoline_lowered:
0x8: {  	[smem:$0x3FA8] =	sst s0  }
0x9: {  	[smem:$0x3FA9] =	sst s1  }
0xa: {  	[smem:$0x3FAA] =	sst s2  }
0xb: {  	[smem:$0x3FAB] =	sst s3  }
0xc: {  	[smem:$0x3FAC] =	sst s4  }
0xd: {  	[smem:$0x3FAD] =	sst s5  }
0xe: {  	[smem:$0x3FAE] =	sst s6  }
0xf: {  	[smem:$0x3FAF] =	sst s7  }
0x10: {  	[smem:$0x3FB0] =	sst s8  }
0x11: {  	[smem:$0x3FB1] =	sst s9;
	s0 =	simm.s32 @!p0 $0x0  }
0x12: {  	s1 =	sld [smem:$0x3F97];
	s0 =	simm.s32 @p0 $0x1  }
0x13: {  	[smem:$0x3FB2] =	sst s0;
	s0 =	simm.s32 @!p1 $0x0  }
0x14: {  	s2 =	sld [smem:$0x3F96];
	s0 =	simm.s32 @p1 $0x1  }
0x15: {  	[smem:$0x3FB3] =	sst s0;
	s0 =	simm.s32 @!p2 $0x0  }
0x16: {  	s3 =	sld [smem:$0x3FDB];
	s0 =	simm.s32 @p2 $0x1  }
0x17: {  	s4 =	simm.s32 $0x1BF5;
	[smem:$0x3FB5] =	sst s0  }
0x18: {  	s0 =	sld [smem:$0x3F98];
	_ =	swait.ge [sflag:s4], $0x0  }
0x19: {  	s7 =	sld [smem:$0x3F99]  }
0x1a: {  	s8 =	sadd.s32 $0xFFFFE003, lr  }
0x1b: {  	s9 =	sadd.s32 $0xFFFFFEF7, lr;
	s5 =	simm.s32 $0xFFFFFFFF;
	p2 =	slt.u32 s8, $0xFFFFF086  }
0x1c: {  	p1 =	slt.u32 s9, $0xF7A;
	s5 =	simm.s32 @!p2 $0x0  }
0x1d: {  	s5 =	simm.s32 @p1 $0x1;
	p0 =	seq.s32 s7, s2  }
0x1e: {  	s7 =	smul.u32 @!p0 $0xF7A, s2;
	p2 =	seq.s32 @!p0 s5, $0x0  }
0x1f: {  	s9 =	smul.u32 $0xF7A, s1;
	s8 =	simm.s32 @!p0 $0x1BF5;
	p2 =	por !p2, p0  }
0x20: {  	[sflag:s8] =	ssyncset.s32 @!p0 $0xFFFFF086;
	s6 =	sadd.s32 @!p0 s3, s7;
	s7 =	simm.s32 @!p0 $0x108  }
0x21: {  	s3 =	sadd.s32 s3, s9;
	s6 =	sadd.s32 @!p0 $0x88, s6;
	s7 =	simm.s32 @p2 $0x1082  }
0x22: {  	[simem:s7], [sflag:s8] =	dma.local @!p0 [hbm:s6], $0xF7A  }
0x23: {  	s9 =	sor.u32 $0xD0000000, s2;
	s6 =	simm.s32 $0x108;
	_ =	swait.ge @!p0 [sflag:s8], $0x0  }
0x24: {  	s3 =	sadd.s32 $0x88, s3;
	s6 =	simm.s32 @!p1 $0x1082;
	[sflag:s4] =	ssyncset.s32 $0xFFFFF086  }
0x25: {  	[simem:s6], [sflag:s4] =	dma.local [hbm:s3], $0xF7A  }
0x26: {  	[smem:$0x3F99] =	sst s1;
	(tag) =	ssettag s2;
	_ =	strace s9  }
0x27: {  	s1 =	sld [smem:$0x3FA9]  }
0x28: {  	s2 =	sld [smem:$0x3FAA]  }
0x29: {  	s4 =	sld [smem:$0x3FAC]  }
0x2a: {  	p0 =	seq.s32 s5, $0x0;
	s5 =	sld [smem:$0x3FAD]  }
0x2b: {  	s6 =	sld [smem:$0x3FAE]  }
0x2c: {  	s7 =	sld [smem:$0x3FAF]  }
0x2d: {  	s3 =	simm.s32 $0x108;
	s8 =	sld [smem:$0x3FB0]  }
0x2e: {  	s3 =	simm.s32 @!p0 $0x1082;
	s9 =	sld [smem:$0x3FB1]  }
0x2f: {  	lr =	sadd.s32 s0, s3;
	s0 =	sld [smem:$0x3FA8]  }
0x30: {  	s3 =	sld [smem:$0x3FAB]  }
0x31: {  	[smem:$0x3FB4] =	sst s10  }
0x32: {  	s10 =	sld [smem:$0x3FB2];
	_ =	sdelay $0x3  }
0x33: {  	p0 =	seq.s32 s10, $0x1;
	s10 =	sld [smem:$0x3FB4];
	_ =	sdelay $0x3  }
0x34: {  	[smem:$0x3FB4] =	sst s10  }
0x35: {  	s10 =	sld [smem:$0x3FB3];
	_ =	sdelay $0x3  }
0x36: {  	p1 =	seq.s32 s10, $0x1;
	s10 =	sld [smem:$0x3FB4];
	_ =	sdelay $0x3  }
0x37: {  	[smem:$0x3FB4] =	sst s10  }
0x38: {  	s10 =	sld [smem:$0x3FB5]  }
0x39: {  	_ = 	snop;
	(pc) =	sbr.ind lr, $3  }
0x3a: {  	_ = 	snop  }
0x3b: {  	_ = 	snop  }
0x3c: {  	p2 =	seq.s32 s10, $0x1;
	s10 =	sld [smem:$0x3FB4]  }
0x3d: {  	_ =	shalt  }
0x3e: {  	_ =	shalt  }
0x3f: {  	_ =	shalt  }
0x40: {  	_ =	shalt  }
0x41: {  	_ =	shalt  }
0x42: {  	_ =	shalt  }
0x43: {  	_ =	shalt  }
0x44: {  	_ =	shalt  }
0x45: {  	_ =	shalt  }
0x46: {  	_ =	shalt  }
0x47: {  	_ =	shalt  }
0x48: {  	_ =	shalt  }
0x49: {  	_ =	shalt  }
0x4a: {  	_ =	shalt  }
0x4b: {  	_ =	shalt  }
0x4c: {  	_ =	shalt  }
0x4d: {  	_ =	shalt  }
0x4e: {  	_ =	shalt  }
0x4f: {  	_ =	shalt  }
0x50: {  	_ =	shalt  }
0x51: {  	_ =	shalt  }
0x52: {  	_ =	shalt  }
0x53: {  	_ =	shalt  }
0x54: {  	_ =	shalt  }
0x55: {  	_ =	shalt  }
0x56: {  	_ =	shalt  }
0x57: {  	_ =	shalt  }
0x58: {  	_ =	shalt  }
0x59: {  	_ =	shalt  }
0x5a: {  	_ =	shalt  }
0x5b: {  	_ =	shalt  }
0x5c: {  	_ =	shalt  }
0x5d: {  	_ =	shalt  }
0x5e: {  	_ =	shalt  }
0x5f: {  	_ =	shalt  }
0x60: {  	_ =	shalt  }
0x61: {  	_ =	shalt  }
0x62: {  	_ =	shalt  }
0x63: {  	_ =	shalt  }
0x64: {  	_ =	shalt  }
0x65: {  	_ =	shalt  }
0x66: {  	_ =	shalt  }
0x67: {  	_ =	shalt  }
0x68: {  	_ =	shalt  }
0x69: {  	_ =	shalt  }
0x6a: {  	_ =	shalt  }
0x6b: {  	_ =	shalt  }
0x6c: {  	_ =	shalt  }
0x6d: {  	_ =	shalt  }
0x6e: {  	_ =	shalt  }
0x6f: {  	_ =	shalt  }
0x70: {  	_ =	shalt  }
0x71: {  	_ =	shalt  }
0x72: {  	_ =	shalt  }
0x73: {  	_ =	shalt  }
0x74: {  	_ =	shalt  }
0x75: {  	_ =	shalt  }
0x76: {  	_ =	shalt  }
0x77: {  	_ =	shalt  }
0x78: {  	_ =	shalt  }
0x79: {  	_ =	shalt  }
0x7a: {  	_ =	shalt  }
0x7b: {  	_ =	shalt  }
0x7c: {  	_ =	shalt  }
0x7d: {  	_ =	shalt  }
0x7e: {  	_ =	shalt  }
0x7f: {  	_ =	shalt  }
0x80: {  	_ =	shalt  }
0x81: {  	_ =	shalt  }
0x82: {  	_ =	shalt  }
0x83: {  	_ =	shalt  }
0x84: {  	_ =	shalt  }
0x85: {  	_ =	shalt  }
0x86: {  	_ =	shalt  }
0x87: {  	_ =	shalt  }
.Lfunc_end0:
.L_simem_size_0:
called_computation.1_lowered:
.L_overlay_start_0:
0x88: {  	s2 =	sld [smem:$0x3FD9]  }
0x89: {  	s3 =	sld [smem:$0x3FFE];
	_ =	sdelay $0x1  }
0x8a: {  	s1 =	srdreg.scid  }
0x8b: {  	s0 =	sand.u32 $0x1, s1  }
0x8c: {  	s17 =	sshll.u32 s0, $0xA;
	s2 =	sadd.s32 s3, s2  }
0x8d: {  	s2 =	sadd.s32 s2, s17  }
0x8e: {  	[smem:$0x3FC0] =	sst s2  }
0x8f: {  	_ = 	snop  }
0x90: {  	s2 =	sld [smem:$0x3FC3];
	(tm) =	ssettm $0x1  }
0x91: {  	s18 =	sld [smem:$0x3FFB];
	_ =	sdelay $0x3  }
0x92: {  	_ =	strace s18  }
0x93: {  	s3 =	sld [smem:$0x3FFC];
	_ =	sdelay $0x3  }
0x94: {  	_ =	strace s3  }
0x95: {  	s3 =	sld [smem:$0x3FFD];
	_ =	sdelay $0x3  }
0x96: {  	_ =	strace s3  }
0x97: {  	_ =	strace $0x8FFFFFFF  }
0x98: {  	s19 =	sld [smem:$0x3FDB];
	_ =	sdelay $0x1  }
0x99: {  	s4 =	simm.s32 $_scs_section_size  }
0x9a: {  	s5 =	simm.s32 $_size__tile_overlayer_lowered;
	s6 =	simm.s32 $_tile_overlayer_lowered  }
0x9b: {  	s22 =	simm.s32 $0x1BFF;
	s21 =	sshll.u32 s6, $0x1;
	s3 =	sadd.s32 s4, s19  }
0x9c: {  	s7 =	simm.s32 $0x0;
	s20 =	sshll.u32 s5, $0x1;
	s5 =	sadd.s32 s21, s3  }
0x9d: {  	[timem:s7], [sflag:s22] =	dma.local [hbm:s5], s20  }
0x9e: {  	_ =	swait.ge [sflag:s22], s20  }
0x9f: {  	s4 =	ssub.s32 $0x0, s20;
	[sflag:s22] =	ssyncset.done $0x0  }
0xa0: {  	[sflag:s22] =	ssyncadd.s32 s4;
	_ =	sdelay $0x1  }
0xa1: {  	s23 =	simm.s32 $0x1B8B  }
0xa2: {  	_ =	swait.ge [sflag:s23], $0x1  }
0xa3: {  	[sflag:s23] =	ssyncset.done $0x0  }
0xa4: {  	s25 =	simm.s32 $0x1B8E;
	s24 =	sld [smem:$0x3FFE];
	[sflag:s23] =	ssyncadd.s32 $0xFFFFFFFF  }
0xa5: {  	s26 =	simm.s32 $execute0_lowered;
	[smem:$0x3FD2] =	sst s25  }
0xa6: {  	s5 =	sshll.u32 s26, $0x1;
	_ =	strace $0x80000049;
	[dreg:$0x1] =	wrdreg $0xFFFFFFFF  }
0xa7: {  	s28 =	simm.s32 $_size_execute0_lowered;
	s3 =	sadd.s32 s3, s5;
	[dreg:$0x0] =	wrdreg $0x0  }
0xa8: {  	s5 =	sshll.u32 s28, $0x1;
	[dreg:$0x2] =	wrdreg s3  }
0xa9: {  	[dreg:$0x3] =	wrdreg s5  }
0xaa: {  	[dreg:$0x4] =	wrdreg $0xC0  }
0xab: {  	_ =	task [dreg:s7], $0x5FFFF  }
0xac: {  	[dreg:$0x1] =	wrdreg $0xFFFFFFFF  }
0xad: {  	[dreg:$0x0] =	wrdreg $0x60  }
0xae: {  	[dreg:$0x2] =	wrdreg s24  }
0xaf: {  	[dreg:$0x3] =	wrdreg s2  }
0xb0: {  	[dreg:$0x4] =	wrdreg $0x9  }
0xb1: {  	_ =	task.clear_ibuf [dreg:s7], $0x5FFFF;
	_ =	strace $0x90000049  }
0xb2: {  	s29 =	simm.s32 $0x9;
	_ =	strace $0x8000004B  }
0xb3: {  	_ =	swait.ge [sflag:s29], $0x1  }
0xb4: {  	[sflag:s29] =	ssyncadd.s32 $0xFFFFFFFF  }
0xb5: {  	_ =	strace $0x9000004B  }
0xb6: {  	_ =	sfence  }
0xb7: {  	s30 =	sld [smem:$0x0];
	_ =	sdelay $0x2  }
0xb8: {  	s31 =	sshll.u32 s1, $0xD;
	s1 =	sshrl.u32 s1, $0x2  }
0xb9: {  	s3 =	sand.u32 $0x4000, s31;
	s1 =	sadd.s32 s1, s30  }
0xba: {  	s0 =	sor.u32 s3, s0;
	s1 =	sshll.u32 s1, $0x11  }
0xbb: {  	s0 =	sor.u32 s1, s0  }
0xbc: {  	s0 =	sadd.s32 $0x8F2B, s0  }
0xbd: {  	[sflag:s0] =	ssyncadd.remote.s32 $0x1  }
0xbe: {  	_ =	sfence.sel $0xFFFF  }
0xbf: {  	[dreg:$0x0] =	wrdreg $0xFFFFFFFF;
	(pc) =	sbr.abs _section_cstart, $3  }
0xc0: {  	[dreg:$0x1] =	wrdreg $0xFFFFFFFF  }
0xc1: {  	_ =	task.clear_ibuf [dreg:s7], $0x2FFFF;
	_ =	strace $0x9FFFFFFF  }
0xc2: {  	(tm) =	ssettm $0x7FFFFFFF  }
0xc3: {  	_ =	shalt  }
tec
execute0_lowered:
.L_overlay_start_1:
0x0: {  	(tag) =	ssettag $0x1  }
0x1: {  	s7 =	rddreg [dreg:$0x0]  }
0x2: {  	s1 =	srdreg.scid;
	s0 =	stileid.u32  }
0x3: {  	s2 =	rddreg [dreg:$0x1];
	s3 =	simm.s32 $0x0;
	s12 =	simm.s32 $0x2800  }
0x4: {  	s13 =	simm.s32 $0x15080;
	s14 =	simm.s32 $0x15100;
	s15 =	simm.s32 $0x80  }
0x5: {  	s16 =	simm.s32 $0x5000;
	s17 =	simm.s32 $0x9000;
	s18 =	simm.s32 $0x1  }
0x6: {  	s19 =	simm.s32 $0xD000;
	s6 =	sand.u32 $0x1, s1;
	s4 =	sshll.u32 s0, $0x1  }
0x7: {  	s20 =	simm.s32 $0x11000;
	s21 =	simm.s32 $0x15000;
	s4 =	sor.u32 s6, s4  }
0x8: {  	s22 =	simm.s32 $0x2;
	s1 =	rddreg [dreg:$0x2];
	s4 =	smul.u32 $0x2800, s4  }
0x9: {  	s23 =	simm.s32 $0x0;
	[smem:$0x7FF] =	sst s3;
	s5 =	sadd.s32 $0x15400, s7  }
0xa: {  	_ =	strace $0x8000004A;
	s9 =	ssub.s32 $0x2, s6;
	s8 =	sshrl.u32 s4, $0x3  }
0xb: {  	s6 =	sadd.s32 $0x3D400, s7;
	s31 =	sshrl.u32 s9, $0x1;
	s10 =	sadd.s32 s8, s7  }
0xc: {  	s11 =	ssub.s32 s9, s31;
	s7 =	sadd.s32 $0x3D600, s7;
	s8 =	sadd.s32 $0x1400, s10  }
0xd: {  	s9 =	sadd.s32 $0xB400, s10;
	s10 =	smax.u32 s11, $0x1;
	s11 =	simm.s32 $0x3  }
.LBB2_1:
0xe: {  	[tilespmem:s3], [sflag:$0x3] =	stream.linear.gather [hbm4b:s8+s3], $0x2800, $0x38;
	[tilespmem:$0x15180] =	vst v63  }
0xf: {  	_ =	swait.ge [sflag:s11], $0x2800  }
0x10: {  	[sflag:s11] =	ssyncset.done $0x0  }
0x11: {  	[sflag:s11] =	ssyncadd.s32 $0xFFFFD800  }
0x12: {  	[tilespmem:s12], [sflag:$0x3] =	stream.linear.gather [hbm4b:s9+s3], $0x2800, $0x38;
	[tilespmem:$0x15180] =	vst v63  }
0x13: {  	_ =	swait.ge [sflag:s11], $0x2800  }
0x14: {  	[sflag:s11] =	ssyncset.done $0x0  }
0x15: {  	[sflag:s11] =	ssyncadd.s32 $0xFFFFD800  }
0x16: {  	[tilespmem:s13], [sflag:$0x3] =	stream.linear.gather [hbm4b:s2+s3], $0x80, $0x38;
	[tilespmem:$0x15180] =	vst v63  }
0x17: {  	_ =	swait.ge [sflag:s11], $0x80  }
0x18: {  	[sflag:s11] =	ssyncset.done $0x0  }
0x19: {  	[sflag:s11] =	ssyncadd.s32 $0xFFFFFF80  }
0x1a: {  	[tilespmem:s14], [sflag:$0x3] =	stream.linear.gather [hbm4b:s6+s3], $0x80, $0x38;
	[tilespmem:$0x15180] =	vst v63  }
0x1b: {  	_ =	swait.ge [sflag:s11], $0x80  }
0x1c: {  	[sflag:s11] =	ssyncset.done $0x0  }
0x1d: {  	[sflag:s11] =	ssyncadd.s32 $0xFFFFFF80  }
0x1e: {  	v0 =	vld [tilespmem:$0x15080]  }
0x1f: {  	v1 =	vld [tilespmem:$0x15090]  }
0x20: {  	v2 =	vld [tilespmem:$0x150A0]  }
0x21: {  	v3 =	vld [tilespmem:$0x150B0]  }
0x22: {  	v4 =	vld [tilespmem:$0x15100];
	[tilespmem:s16], [sflag:$0x1] =	stream.indirect.gather [hbm4b:s5+s15], $0x80, s3, s15, $0xb8  }
0x23: {  	s24 =	simm.s32 $0x0  }
0x24: {  	[tilespmem:s17], [sflag:$0x1] =	stream.indirect.gather [hbm4b:s5+s15], $0x80, s12, s15, $0xb8;
	[tilespmem:$0x15180] =	vst v63  }
.LBB2_2:
0x25: {  	_ =	swait.ge [sflag:s18], $0x4000  }
0x26: {  	[sflag:s18] =	ssyncset.done $0x0  }
0x27: {  	[sflag:s18] =	ssyncadd.s32 $0xFFFFC000  }
0x28: {  	_ =	swait.ge [sflag:s18], $0x4000  }
0x29: {  	s26 =	sshll.u32 s24, $0x8;
	[sflag:s18] =	ssyncset.done $0x0  }
0x2a: {  	s25 =	sor.u32 $0x80, s26;
	[sflag:s18] =	ssyncadd.s32 $0xFFFFC000  }
0x2b: {  	[tilespmem:s19], [sflag:$0x2] =	stream.indirect.gather [hbm4b:s5+s15], $0x80, s25, s15, $0xb8;
	[tilespmem:$0x15180] =	vst v63  }
0x2c: {  	s28 =	sadd.s32 $0x2880, s26  }
0x2d: {  	[tilespmem:s20], [sflag:$0x2] =	stream.indirect.gather [hbm4b:s5+s15], $0x80, s28, s15, $0xb8;
	[tilespmem:$0x15180] =	vst v63  }
0x2e: {  	s29 =	simm.s32 $0x9240;
	s30 =	simm.s32 $0x5200;
	s28 =	simm.s32 $0x7  }
.LBB2_3:
0x2f: {  	v5 =	vld [tilespmem:s30+$0xFFFFFE00]  }
0x30: {  	v6 =	vld [tilespmem:s29+$0xFFFFFE00]  }
0x31: {  	v7 =	vld [tilespmem:s30+$0xFFFFFE10]  }
0x32: {  	v8 =	vld [tilespmem:s29+$0xFFFFFE10]  }
0x33: {  	v9 =	vld [tilespmem:s30+$0xFFFFFE20]  }
0x34: {  	v10 =	vld [tilespmem:s29+$0xFFFFFE20]  }
0x35: {  	v11 =	vld [tilespmem:s29+$0xFFFFFE30];
	v5 =	vadd.f32 v6, v5  }
0x36: {  	v6 =	vld [tilespmem:s30+$0xFFFFFE30]  }
0x37: {  	v7 =	vadd.f32 v8, v7;
	v5 =	vmax.f32 v5, $0.0e+00  }
0x38: {  	v5 =	vmul.f32 v5, v0  }
0x39: {  	v28 =	vadd.f32 v10, v9;
	v7 =	vmax.f32 v7, $0.0e+00  }
0x3a: {  	v7 =	vmul.f32 v7, v1;
	v5 =	vadd.f32 v5, v4  }
0x3b: {  	v8 =	vmax.f32 v28, $0.0e+00;
	v6 =	vadd.f32 v11, v6  }
0x3c: {  	v5 =	vadd.f32 v7, v5;
	v7 =	vmul.f32 v8, v2  }
0x3d: {  	v6 =	vmax.f32 v6, $0.0e+00  }
0x3e: {  	v6 =	vmul.f32 v6, v3;
	v5 =	vadd.f32 v7, v5;
	_ =	sdelay $0x1  }
0x3f: {  	v5 =	vadd.f32 v6, v5;
	_ =	sdelay $0x1  }
0x40: {  	(xrf2) =	vadd.scan.msk.f32 $0xffff, v5;
	_ =	sdelay $0x3  }
0x41: {  	s31 =	sadd.s32 $0xFFFFFFF9, s28  }
0x42: {  	v5 =	vmov s31  }
0x43: {  	v5 =	vand.u32 $0xFFFFFFF8, v5  }
0x44: {  	v5 =	vbroadcast v5, $0x0;
	_ =	sdelay $0x2  }
0x45: {  	v6, _, _ =	vpop (xrf2)  }
0x46: {  	v6 =	vbroadcast v6, $0xF;
	_ =	sdelay $0x1  }
0x47: {  	[tilespmem:v5+s21+$0x0] =	vst.idx.msk $0x1, v6  }
0x48: {  	v5 =	vld [tilespmem:s30+$0xFFFFFE80]  }
0x49: {  	v6 =	vld [tilespmem:s29+$0xFFFFFE80]  }
0x4a: {  	v7 =	vld [tilespmem:s30+$0xFFFFFE90]  }
0x4b: {  	v29 =	vld [tilespmem:s29+$0xFFFFFE90]  }
0x4c: {  	v30 =	vld [tilespmem:s30+$0xFFFFFEA0]  }
0x4d: {  	v31 =	vld [tilespmem:s29+$0xFFFFFEA0]  }
0x4e: {  	v32 =	vld [tilespmem:s29+$0xFFFFFEB0];
	v5 =	vadd.f32 v6, v5  }
0x4f: {  	v6 =	vld [tilespmem:s30+$0xFFFFFEB0]  }
0x50: {  	v7 =	vadd.f32 v29, v7;
	v5 =	vmax.f32 v5, $0.0e+00  }
0x51: {  	v5 =	vmul.f32 v5, v0  }
0x52: {  	v33 =	vadd.f32 v31, v30;
	v7 =	vmax.f32 v7, $0.0e+00  }
0x53: {  	v7 =	vmul.f32 v7, v1;
	v5 =	vadd.f32 v5, v4  }
0x54: {  	v8 =	vmax.f32 v33, $0.0e+00;
	v6 =	vadd.f32 v32, v6  }
0x55: {  	v5 =	vadd.f32 v7, v5;
	v7 =	vmul.f32 v8, v2  }
0x56: {  	v6 =	vmax.f32 v6, $0.0e+00  }
0x57: {  	v6 =	vmul.f32 v6, v3;
	v5 =	vadd.f32 v7, v5;
	_ =	sdelay $0x1  }
0x58: {  	v5 =	vadd.f32 v6, v5;
	_ =	sdelay $0x1  }
0x59: {  	(xrf2) =	vadd.scan.msk.f32 $0xffff, v5;
	_ =	sdelay $0x3  }
0x5a: {  	s31 =	sadd.s32 $0xFFFFFFFA, s28  }
0x5b: {  	v5 =	vmov s31  }
0x5c: {  	v5 =	vand.u32 $0xFFFFFFF9, v5  }
0x5d: {  	v5 =	vbroadcast v5, $0x0;
	_ =	sdelay $0x2  }
0x5e: {  	v6, _, _ =	vpop (xrf2)  }
0x5f: {  	v6 =	vbroadcast v6, $0xF;
	_ =	sdelay $0x1  }
0x60: {  	[tilespmem:v5+s21+$0x0] =	vst.idx.msk $0x1, v6  }
0x61: {  	v5 =	vld [tilespmem:s30+$0xFFFFFF00]  }
0x62: {  	v6 =	vld [tilespmem:s29+$0xFFFFFF00]  }
0x63: {  	v7 =	vld [tilespmem:s30+$0xFFFFFF10]  }
0x64: {  	v34 =	vld [tilespmem:s29+$0xFFFFFF10]  }
0x65: {  	v35 =	vld [tilespmem:s30+$0xFFFFFF20]  }
0x66: {  	v36 =	vld [tilespmem:s29+$0xFFFFFF20]  }
0x67: {  	v37 =	vld [tilespmem:s29+$0xFFFFFF30];
	v5 =	vadd.f32 v6, v5  }
0x68: {  	v6 =	vld [tilespmem:s30+$0xFFFFFF30]  }
0x69: {  	v7 =	vadd.f32 v34, v7;
	v5 =	vmax.f32 v5, $0.0e+00  }
0x6a: {  	v5 =	vmul.f32 v5, v0  }
0x6b: {  	v38 =	vadd.f32 v36, v35;
	v7 =	vmax.f32 v7, $0.0e+00  }
0x6c: {  	v7 =	vmul.f32 v7, v1;
	v5 =	vadd.f32 v5, v4  }
0x6d: {  	v8 =	vmax.f32 v38, $0.0e+00;
	v6 =	vadd.f32 v37, v6  }
0x6e: {  	v5 =	vadd.f32 v7, v5;
	v7 =	vmul.f32 v8, v2  }
0x6f: {  	v6 =	vmax.f32 v6, $0.0e+00  }
0x70: {  	v6 =	vmul.f32 v6, v3;
	v5 =	vadd.f32 v7, v5;
	_ =	sdelay $0x1  }
0x71: {  	v5 =	vadd.f32 v6, v5;
	_ =	sdelay $0x1  }
0x72: {  	(xrf2) =	vadd.scan.msk.f32 $0xffff, v5;
	_ =	sdelay $0x3  }
0x73: {  	s31 =	sadd.s32 $0xFFFFFFFB, s28  }
0x74: {  	v5 =	vmov s31  }
0x75: {  	v5 =	vand.u32 $0xFFFFFFFA, v5  }
0x76: {  	v5 =	vbroadcast v5, $0x0;
	_ =	sdelay $0x2  }
0x77: {  	v6, _, _ =	vpop (xrf2)  }
0x78: {  	v6 =	vbroadcast v6, $0xF;
	_ =	sdelay $0x1  }
0x79: {  	[tilespmem:v5+s21+$0x0] =	vst.idx.msk $0x1, v6  }
0x7a: {  	v5 =	vld [tilespmem:s30+$0xFFFFFF80]  }
0x7b: {  	v6 =	vld [tilespmem:s29+$0xFFFFFF80]  }
0x7c: {  	v7 =	vld [tilespmem:s30+$0xFFFFFF90]  }
0x7d: {  	v39 =	vld [tilespmem:s29+$0xFFFFFF90]  }
0x7e: {  	v40 =	vld [tilespmem:s30+$0xFFFFFFA0]  }
0x7f: {  	v41 =	vld [tilespmem:s29+$0xFFFFFFA0]  }
0x80: {  	v42 =	vld [tilespmem:s29+$0xFFFFFFB0];
	v5 =	vadd.f32 v6, v5  }
0x81: {  	v6 =	vld [tilespmem:s30+$0xFFFFFFB0]  }
0x82: {  	v7 =	vadd.f32 v39, v7;
	v5 =	vmax.f32 v5, $0.0e+00  }
0x83: {  	v5 =	vmul.f32 v5, v0  }
0x84: {  	v43 =	vadd.f32 v41, v40;
	v7 =	vmax.f32 v7, $0.0e+00  }
0x85: {  	v7 =	vmul.f32 v7, v1;
	v5 =	vadd.f32 v5, v4  }
0x86: {  	v8 =	vmax.f32 v43, $0.0e+00;
	v6 =	vadd.f32 v42, v6  }
0x87: {  	v5 =	vadd.f32 v7, v5;
	v7 =	vmul.f32 v8, v2  }
0x88: {  	v6 =	vmax.f32 v6, $0.0e+00  }
0x89: {  	v6 =	vmul.f32 v6, v3;
	v5 =	vadd.f32 v7, v5;
	_ =	sdelay $0x1  }
0x8a: {  	v5 =	vadd.f32 v6, v5;
	_ =	sdelay $0x1  }
0x8b: {  	(xrf2) =	vadd.scan.msk.f32 $0xffff, v5;
	_ =	sdelay $0x3  }
0x8c: {  	s31 =	sadd.s32 $0xFFFFFFFC, s28  }
0x8d: {  	v5 =	vmov s31  }
0x8e: {  	v5 =	vand.u32 $0xFFFFFFFB, v5  }
0x8f: {  	v5 =	vbroadcast v5, $0x0;
	_ =	sdelay $0x2  }
0x90: {  	v6, _, _ =	vpop (xrf2)  }
0x91: {  	v6 =	vbroadcast v6, $0xF;
	_ =	sdelay $0x1  }
0x92: {  	[tilespmem:v5+s21+$0x0] =	vst.idx.msk $0x1, v6  }
0x93: {  	v5 =	vld [tilespmem:s30+$0x0]  }
0x94: {  	v6 =	vld [tilespmem:s29+$0x0]  }
0x95: {  	v7 =	vld [tilespmem:s30+$0x10]  }
0x96: {  	v44 =	vld [tilespmem:s29+$0x10]  }
0x97: {  	v45 =	vld [tilespmem:s30+$0x20]  }
0x98: {  	v46 =	vld [tilespmem:s29+$0x20]  }
0x99: {  	v47 =	vld [tilespmem:s29+$0x30];
	v5 =	vadd.f32 v6, v5  }
0x9a: {  	v6 =	vld [tilespmem:s30+$0x30]  }
0x9b: {  	v7 =	vadd.f32 v44, v7;
	v5 =	vmax.f32 v5, $0.0e+00  }
0x9c: {  	v5 =	vmul.f32 v5, v0  }
0x9d: {  	v48 =	vadd.f32 v46, v45;
	v7 =	vmax.f32 v7, $0.0e+00  }
0x9e: {  	v7 =	vmul.f32 v7, v1;
	v5 =	vadd.f32 v5, v4  }
0x9f: {  	v8 =	vmax.f32 v48, $0.0e+00;
	v6 =	vadd.f32 v47, v6  }
0xa0: {  	v5 =	vadd.f32 v7, v5;
	v7 =	vmul.f32 v8, v2  }
0xa1: {  	v6 =	vmax.f32 v6, $0.0e+00  }
0xa2: {  	v6 =	vmul.f32 v6, v3;
	v5 =	vadd.f32 v7, v5;
	_ =	sdelay $0x1  }
0xa3: {  	v5 =	vadd.f32 v6, v5;
	_ =	sdelay $0x1  }
0xa4: {  	(xrf2) =	vadd.scan.msk.f32 $0xffff, v5;
	_ =	sdelay $0x3  }
0xa5: {  	s31 =	sadd.s32 $0xFFFFFFFD, s28  }
0xa6: {  	v5 =	vmov s31  }
0xa7: {  	v5 =	vand.u32 $0xFFFFFFFC, v5  }
0xa8: {  	v5 =	vbroadcast v5, $0x0;
	_ =	sdelay $0x2  }
0xa9: {  	v6, _, _ =	vpop (xrf2)  }
0xaa: {  	v6 =	vbroadcast v6, $0xF;
	_ =	sdelay $0x1  }
0xab: {  	[tilespmem:v5+s21+$0x0] =	vst.idx.msk $0x1, v6  }
0xac: {  	v5 =	vld [tilespmem:s30+$0x80]  }
0xad: {  	v6 =	vld [tilespmem:s29+$0x80]  }
0xae: {  	v7 =	vld [tilespmem:s30+$0x90]  }
0xaf: {  	v49 =	vld [tilespmem:s29+$0x90]  }
0xb0: {  	v50 =	vld [tilespmem:s30+$0xA0]  }
0xb1: {  	v51 =	vld [tilespmem:s29+$0xA0]  }
0xb2: {  	v52 =	vld [tilespmem:s29+$0xB0];
	v5 =	vadd.f32 v6, v5  }
0xb3: {  	v6 =	vld [tilespmem:s30+$0xB0]  }
0xb4: {  	v7 =	vadd.f32 v49, v7;
	v5 =	vmax.f32 v5, $0.0e+00  }
0xb5: {  	v5 =	vmul.f32 v5, v0  }
0xb6: {  	v53 =	vadd.f32 v51, v50;
	v7 =	vmax.f32 v7, $0.0e+00  }
0xb7: {  	v7 =	vmul.f32 v7, v1;
	v5 =	vadd.f32 v5, v4  }
0xb8: {  	v8 =	vmax.f32 v53, $0.0e+00;
	v6 =	vadd.f32 v52, v6  }
0xb9: {  	v5 =	vadd.f32 v7, v5;
	v7 =	vmul.f32 v8, v2  }
0xba: {  	v6 =	vmax.f32 v6, $0.0e+00  }
0xbb: {  	v6 =	vmul.f32 v6, v3;
	v5 =	vadd.f32 v7, v5;
	_ =	sdelay $0x1  }
0xbc: {  	v5 =	vadd.f32 v6, v5;
	_ =	sdelay $0x1  }
0xbd: {  	(xrf2) =	vadd.scan.msk.f32 $0xffff, v5;
	_ =	sdelay $0x3  }
0xbe: {  	s31 =	sadd.s32 $0xFFFFFFFE, s28  }
0xbf: {  	v5 =	vmov s31  }
0xc0: {  	v5 =	vand.u32 $0xFFFFFFFD, v5  }
0xc1: {  	v5 =	vbroadcast v5, $0x0;
	_ =	sdelay $0x2  }
0xc2: {  	v6, _, _ =	vpop (xrf2)  }
0xc3: {  	v6 =	vbroadcast v6, $0xF;
	_ =	sdelay $0x1  }
0xc4: {  	[tilespmem:v5+s21+$0x0] =	vst.idx.msk $0x1, v6  }
0xc5: {  	v5 =	vld [tilespmem:s30+$0x100]  }
0xc6: {  	v6 =	vld [tilespmem:s29+$0x100]  }
0xc7: {  	v7 =	vld [tilespmem:s30+$0x110]  }
0xc8: {  	v54 =	vld [tilespmem:s29+$0x110]  }
0xc9: {  	v55 =	vld [tilespmem:s30+$0x120]  }
0xca: {  	v56 =	vld [tilespmem:s29+$0x120]  }
0xcb: {  	v57 =	vld [tilespmem:s29+$0x130];
	v5 =	vadd.f32 v6, v5  }
0xcc: {  	v6 =	vld [tilespmem:s30+$0x130]  }
0xcd: {  	v7 =	vadd.f32 v54, v7;
	v5 =	vmax.f32 v5, $0.0e+00  }
0xce: {  	v5 =	vmul.f32 v5, v0  }
0xcf: {  	v58 =	vadd.f32 v56, v55;
	v7 =	vmax.f32 v7, $0.0e+00  }
0xd0: {  	v7 =	vmul.f32 v7, v1;
	v5 =	vadd.f32 v5, v4  }
0xd1: {  	v8 =	vmax.f32 v58, $0.0e+00;
	v6 =	vadd.f32 v57, v6  }
0xd2: {  	v5 =	vadd.f32 v7, v5;
	v7 =	vmul.f32 v8, v2  }
0xd3: {  	v6 =	vmax.f32 v6, $0.0e+00  }
0xd4: {  	v6 =	vmul.f32 v6, v3;
	v5 =	vadd.f32 v7, v5;
	_ =	sdelay $0x1  }
0xd5: {  	v5 =	vadd.f32 v6, v5;
	_ =	sdelay $0x1  }
0xd6: {  	(xrf2) =	vadd.scan.msk.f32 $0xffff, v5;
	_ =	sdelay $0x3  }
0xd7: {  	s31 =	sadd.s32 $0xFFFFFFFF, s28  }
0xd8: {  	v5 =	vmov s31  }
0xd9: {  	v5 =	vand.u32 $0xFFFFFFFE, v5  }
0xda: {  	v5 =	vbroadcast v5, $0x0;
	_ =	sdelay $0x2  }
0xdb: {  	v6, _, _ =	vpop (xrf2)  }
0xdc: {  	v6 =	vbroadcast v6, $0xF;
	_ =	sdelay $0x1  }
0xdd: {  	[tilespmem:v5+s21+$0x0] =	vst.idx.msk $0x1, v6  }
0xde: {  	v5 =	vld [tilespmem:s30+$0x180]  }
0xdf: {  	v6 =	vld [tilespmem:s29+$0x180]  }
0xe0: {  	v7 =	vld [tilespmem:s30+$0x190]  }
0xe1: {  	v59 =	vld [tilespmem:s29+$0x190]  }
0xe2: {  	v60 =	vld [tilespmem:s30+$0x1A0]  }
0xe3: {  	v61 =	vld [tilespmem:s29+$0x1A0]  }
0xe4: {  	v62 =	vld [tilespmem:s29+$0x1B0];
	v5 =	vadd.f32 v6, v5  }
0xe5: {  	v6 =	vld [tilespmem:s30+$0x1B0]  }
0xe6: {  	v7 =	vadd.f32 v59, v7;
	v5 =	vmax.f32 v5, $0.0e+00  }
0xe7: {  	v5 =	vmul.f32 v5, v0  }
0xe8: {  	v63 =	vadd.f32 v61, v60;
	v7 =	vmax.f32 v7, $0.0e+00  }
0xe9: {  	v7 =	vmul.f32 v7, v1;
	v5 =	vadd.f32 v5, v4  }
0xea: {  	v8 =	vmax.f32 v63, $0.0e+00;
	v6 =	vadd.f32 v62, v6  }
0xeb: {  	v5 =	vadd.f32 v7, v5;
	v7 =	vmul.f32 v8, v2  }
0xec: {  	v6 =	vmax.f32 v6, $0.0e+00  }
0xed: {  	v6 =	vmul.f32 v6, v3;
	v5 =	vadd.f32 v7, v5;
	_ =	sdelay $0x1  }
0xee: {  	v5 =	vadd.f32 v6, v5;
	_ =	sdelay $0x1  }
0xef: {  	(xrf2) =	vadd.scan.msk.f32 $0xffff, v5;
	_ =	sdelay $0x7  }
0xf0: {  	p0 =	sne.s32 s28, $0x7F;
	v5 =	vmov s28  }
.Ltmp0:
0xf1: {  	_ = 	snop;
	(pc) =	sbr.rel @p0 .LBB2_3-.Ltmp0, $3  }
0xf2: {  	v6, _, _ =	vpop (xrf2)  }
0xf3: {  	v6 =	vbroadcast v6, $0xF;
	_ =	sdelay $0x1  }
0xf4: {  	s29 =	sadd.s32 $0x400, s29;
	s30 =	sadd.s32 $0x400, s30;
	s28 =	sadd.s32 $0x8, s28;
	[tilespmem:v5+s21+$0x0] =	vst.idx.msk $0x1, v6  }
0xf5: {  	s28 =	sadd.s32 s4, s26  }
0xf6: {  	p0 =	sgt.u32 s28, $0x4E1FF  }
0xf7: {  	s28 =	sshrl.u32 @!p0 s28, $0x3  }
0xf8: {  	s29 =	simm.s32 @!p0 $0x0;
	s30 =	simm.s32 @!p0 $0x15000;
	s28 =	sadd.s32 @!p0 s7, s28  }
0xf9: {  	[hbm4b:s28+s29] =	stream.linear.scatter @!p0 [tilespmem:s30], [sflag:$0x4], $0x80, $0x38;
	[tilespmem:$0x15180] =	vst v63  }
0xfa: {  	s28 =	simm.s32 @!p0 $0x4  }
0xfb: {  	_ =	swait.ge @!p0 [sflag:s28], $0x80  }
0xfc: {  	[sflag:s28] =	ssyncset.done @!p0 $0x0  }
0xfd: {  	[sflag:s28] =	ssyncadd.s32 @!p0 $0xFFFFFF80  }
0xfe: {  	_ =	swait.ge [sflag:s22], $0x4000  }
0xff: {  	[sflag:s22] =	ssyncset.done $0x0  }
0x100: {  	[sflag:s22] =	ssyncadd.s32 $0xFFFFC000  }
0x101: {  	p0 =	seq.s32 s24, $0x27;
	_ =	swait.ge [sflag:s22], $0x4000  }
0x102: {  	s28 =	sadd.s32 @!p0 $0x100, s26;
	[sflag:s22] =	ssyncset.done $0x0  }
0x103: {  	s29 =	simm.s32 @!p0 $0x80;
	s30 =	simm.s32 @!p0 $0x5000;
	[sflag:s22] =	ssyncadd.s32 $0xFFFFC000  }
0x104: {  	[tilespmem:s30], [sflag:$0x1] =	stream.indirect.gather @!p0 [hbm4b:s5+s29], $0x80, s28, s29, $0xb8;
	[tilespmem:$0x15180] =	vst v63  }
0x105: {  	s26 =	sadd.s32 @!p0 $0x2900, s26;
	s28 =	simm.s32 @!p0 $0x9000  }
0x106: {  	[tilespmem:s28], [sflag:$0x1] =	stream.indirect.gather @!p0 [hbm4b:s5+s29], $0x80, s26, s29, $0xb8;
	[tilespmem:$0x15180] =	vst v63  }
0x107: {  	s26 =	simm.s32 $0x7;
	s28 =	simm.s32 $0x11240;
	s29 =	simm.s32 $0xD200  }
.LBB2_5:
0x108: {  	v5 =	vld [tilespmem:s29+$0xFFFFFE00]  }
0x109: {  	v6 =	vld [tilespmem:s28+$0xFFFFFE00]  }
0x10a: {  	v7 =	vld [tilespmem:s29+$0xFFFFFE10]  }
0x10b: {  	v8 =	vld [tilespmem:s28+$0xFFFFFE10]  }
0x10c: {  	v9 =	vld [tilespmem:s29+$0xFFFFFE20]  }
0x10d: {  	v10 =	vld [tilespmem:s28+$0xFFFFFE20]  }
0x10e: {  	v11 =	vld [tilespmem:s28+$0xFFFFFE30];
	v5 =	vadd.f32 v6, v5  }
0x10f: {  	v6 =	vld [tilespmem:s29+$0xFFFFFE30]  }
0x110: {  	v7 =	vadd.f32 v8, v7;
	v5 =	vmax.f32 v5, $0.0e+00  }
0x111: {  	v5 =	vmul.f32 v5, v0  }
0x112: {  	v28 =	vadd.f32 v10, v9;
	v7 =	vmax.f32 v7, $0.0e+00  }
0x113: {  	v7 =	vmul.f32 v7, v1;
	v5 =	vadd.f32 v5, v4  }
0x114: {  	v8 =	vmax.f32 v28, $0.0e+00;
	v6 =	vadd.f32 v11, v6  }
0x115: {  	v5 =	vadd.f32 v7, v5;
	v7 =	vmul.f32 v8, v2  }
0x116: {  	v6 =	vmax.f32 v6, $0.0e+00  }
0x117: {  	v6 =	vmul.f32 v6, v3;
	v5 =	vadd.f32 v7, v5;
	_ =	sdelay $0x1  }
0x118: {  	v5 =	vadd.f32 v6, v5;
	_ =	sdelay $0x1  }
0x119: {  	(xrf2) =	vadd.scan.msk.f32 $0xffff, v5;
	_ =	sdelay $0x3  }
0x11a: {  	s30 =	sadd.s32 $0xFFFFFFF9, s26  }
0x11b: {  	v5 =	vmov s30  }
0x11c: {  	v5 =	vand.u32 $0xFFFFFFF8, v5  }
0x11d: {  	v5 =	vbroadcast v5, $0x0;
	_ =	sdelay $0x2  }
0x11e: {  	v6, _, _ =	vpop (xrf2)  }
0x11f: {  	v6 =	vbroadcast v6, $0xF;
	_ =	sdelay $0x1  }
0x120: {  	[tilespmem:v5+s21+$0x0] =	vst.idx.msk $0x1, v6  }
0x121: {  	v5 =	vld [tilespmem:s29+$0xFFFFFE80]  }
0x122: {  	v6 =	vld [tilespmem:s28+$0xFFFFFE80]  }
0x123: {  	v7 =	vld [tilespmem:s29+$0xFFFFFE90]  }
0x124: {  	v29 =	vld [tilespmem:s28+$0xFFFFFE90]  }
0x125: {  	v30 =	vld [tilespmem:s29+$0xFFFFFEA0]  }
0x126: {  	v31 =	vld [tilespmem:s28+$0xFFFFFEA0]  }
0x127: {  	v32 =	vld [tilespmem:s28+$0xFFFFFEB0];
	v5 =	vadd.f32 v6, v5  }
0x128: {  	v6 =	vld [tilespmem:s29+$0xFFFFFEB0]  }
0x129: {  	v7 =	vadd.f32 v29, v7;
	v5 =	vmax.f32 v5, $0.0e+00  }
0x12a: {  	v5 =	vmul.f32 v5, v0  }
0x12b: {  	v33 =	vadd.f32 v31, v30;
	v7 =	vmax.f32 v7, $0.0e+00  }
0x12c: {  	v7 =	vmul.f32 v7, v1;
	v5 =	vadd.f32 v5, v4  }
0x12d: {  	v8 =	vmax.f32 v33, $0.0e+00;
	v6 =	vadd.f32 v32, v6  }
0x12e: {  	v5 =	vadd.f32 v7, v5;
	v7 =	vmul.f32 v8, v2  }
0x12f: {  	v6 =	vmax.f32 v6, $0.0e+00  }
0x130: {  	v6 =	vmul.f32 v6, v3;
	v5 =	vadd.f32 v7, v5;
	_ =	sdelay $0x1  }
0x131: {  	v5 =	vadd.f32 v6, v5;
	_ =	sdelay $0x1  }
0x132: {  	(xrf2) =	vadd.scan.msk.f32 $0xffff, v5;
	_ =	sdelay $0x3  }
0x133: {  	s31 =	sadd.s32 $0xFFFFFFFA, s26  }
0x134: {  	v5 =	vmov s31  }
0x135: {  	v5 =	vand.u32 $0xFFFFFFF9, v5  }
0x136: {  	v5 =	vbroadcast v5, $0x0;
	_ =	sdelay $0x2  }
0x137: {  	v6, _, _ =	vpop (xrf2)  }
0x138: {  	v6 =	vbroadcast v6, $0xF;
	_ =	sdelay $0x1  }
0x139: {  	[tilespmem:v5+s21+$0x0] =	vst.idx.msk $0x1, v6  }
0x13a: {  	v5 =	vld [tilespmem:s29+$0xFFFFFF00]  }
0x13b: {  	v6 =	vld [tilespmem:s28+$0xFFFFFF00]  }
0x13c: {  	v7 =	vld [tilespmem:s29+$0xFFFFFF10]  }
0x13d: {  	v34 =	vld [tilespmem:s28+$0xFFFFFF10]  }
0x13e: {  	v35 =	vld [tilespmem:s29+$0xFFFFFF20]  }
0x13f: {  	v36 =	vld [tilespmem:s28+$0xFFFFFF20]  }
0x140: {  	v37 =	vld [tilespmem:s28+$0xFFFFFF30];
	v5 =	vadd.f32 v6, v5  }
0x141: {  	v6 =	vld [tilespmem:s29+$0xFFFFFF30]  }
0x142: {  	v7 =	vadd.f32 v34, v7;
	v5 =	vmax.f32 v5, $0.0e+00  }
0x143: {  	v5 =	vmul.f32 v5, v0  }
0x144: {  	v38 =	vadd.f32 v36, v35;
	v7 =	vmax.f32 v7, $0.0e+00  }
0x145: {  	v7 =	vmul.f32 v7, v1;
	v5 =	vadd.f32 v5, v4  }
0x146: {  	v8 =	vmax.f32 v38, $0.0e+00;
	v6 =	vadd.f32 v37, v6  }
0x147: {  	v5 =	vadd.f32 v7, v5;
	v7 =	vmul.f32 v8, v2  }
0x148: {  	v6 =	vmax.f32 v6, $0.0e+00  }
0x149: {  	v6 =	vmul.f32 v6, v3;
	v5 =	vadd.f32 v7, v5;
	_ =	sdelay $0x1  }
0x14a: {  	v5 =	vadd.f32 v6, v5;
	_ =	sdelay $0x1  }
0x14b: {  	(xrf2) =	vadd.scan.msk.f32 $0xffff, v5;
	_ =	sdelay $0x3  }
0x14c: {  	s31 =	sadd.s32 $0xFFFFFFFB, s26  }
0x14d: {  	v5 =	vmov s31  }
0x14e: {  	v5 =	vand.u32 $0xFFFFFFFA, v5  }
0x14f: {  	v5 =	vbroadcast v5, $0x0;
	_ =	sdelay $0x2  }
0x150: {  	v6, _, _ =	vpop (xrf2)  }
0x151: {  	v6 =	vbroadcast v6, $0xF;
	_ =	sdelay $0x1  }
0x152: {  	[tilespmem:v5+s21+$0x0] =	vst.idx.msk $0x1, v6  }
0x153: {  	v5 =	vld [tilespmem:s29+$0xFFFFFF80]  }
0x154: {  	v6 =	vld [tilespmem:s28+$0xFFFFFF80]  }
0x155: {  	v7 =	vld [tilespmem:s29+$0xFFFFFF90]  }
0x156: {  	v39 =	vld [tilespmem:s28+$0xFFFFFF90]  }
0x157: {  	v40 =	vld [tilespmem:s29+$0xFFFFFFA0]  }
0x158: {  	v41 =	vld [tilespmem:s28+$0xFFFFFFA0]  }
0x159: {  	v42 =	vld [tilespmem:s28+$0xFFFFFFB0];
	v5 =	vadd.f32 v6, v5  }
0x15a: {  	v6 =	vld [tilespmem:s29+$0xFFFFFFB0]  }
0x15b: {  	v7 =	vadd.f32 v39, v7;
	v5 =	vmax.f32 v5, $0.0e+00  }
0x15c: {  	v5 =	vmul.f32 v5, v0  }
0x15d: {  	v43 =	vadd.f32 v41, v40;
	v7 =	vmax.f32 v7, $0.0e+00  }
0x15e: {  	v7 =	vmul.f32 v7, v1;
	v5 =	vadd.f32 v5, v4  }
0x15f: {  	v8 =	vmax.f32 v43, $0.0e+00;
	v6 =	vadd.f32 v42, v6  }
0x160: {  	v5 =	vadd.f32 v7, v5;
	v7 =	vmul.f32 v8, v2  }
0x161: {  	v6 =	vmax.f32 v6, $0.0e+00  }
0x162: {  	v6 =	vmul.f32 v6, v3;
	v5 =	vadd.f32 v7, v5;
	_ =	sdelay $0x1  }
0x163: {  	v5 =	vadd.f32 v6, v5;
	_ =	sdelay $0x1  }
0x164: {  	(xrf2) =	vadd.scan.msk.f32 $0xffff, v5;
	_ =	sdelay $0x3  }
0x165: {  	s31 =	sadd.s32 $0xFFFFFFFC, s26  }
0x166: {  	v5 =	vmov s31  }
0x167: {  	v5 =	vand.u32 $0xFFFFFFFB, v5  }
0x168: {  	v5 =	vbroadcast v5, $0x0;
	_ =	sdelay $0x2  }
0x169: {  	v6, _, _ =	vpop (xrf2)  }
0x16a: {  	v6 =	vbroadcast v6, $0xF;
	_ =	sdelay $0x1  }
0x16b: {  	[tilespmem:v5+s21+$0x0] =	vst.idx.msk $0x1, v6  }
0x16c: {  	v5 =	vld [tilespmem:s29+$0x0]  }
0x16d: {  	v6 =	vld [tilespmem:s28+$0x0]  }
0x16e: {  	v7 =	vld [tilespmem:s29+$0x10]  }
0x16f: {  	v44 =	vld [tilespmem:s28+$0x10]  }
0x170: {  	v45 =	vld [tilespmem:s29+$0x20]  }
0x171: {  	v46 =	vld [tilespmem:s28+$0x20]  }
0x172: {  	v47 =	vld [tilespmem:s28+$0x30];
	v5 =	vadd.f32 v6, v5  }
0x173: {  	v6 =	vld [tilespmem:s29+$0x30]  }
0x174: {  	v7 =	vadd.f32 v44, v7;
	v5 =	vmax.f32 v5, $0.0e+00  }
0x175: {  	v5 =	vmul.f32 v5, v0  }
0x176: {  	v48 =	vadd.f32 v46, v45;
	v7 =	vmax.f32 v7, $0.0e+00  }
0x177: {  	v7 =	vmul.f32 v7, v1;
	v5 =	vadd.f32 v5, v4  }
0x178: {  	v8 =	vmax.f32 v48, $0.0e+00;
	v6 =	vadd.f32 v47, v6  }
0x179: {  	v5 =	vadd.f32 v7, v5;
	v7 =	vmul.f32 v8, v2  }
0x17a: {  	v6 =	vmax.f32 v6, $0.0e+00  }
0x17b: {  	v6 =	vmul.f32 v6, v3;
	v5 =	vadd.f32 v7, v5;
	_ =	sdelay $0x1  }
0x17c: {  	v5 =	vadd.f32 v6, v5;
	_ =	sdelay $0x1  }
0x17d: {  	(xrf2) =	vadd.scan.msk.f32 $0xffff, v5;
	_ =	sdelay $0x3  }
0x17e: {  	s31 =	sadd.s32 $0xFFFFFFFD, s26  }
0x17f: {  	v5 =	vmov s31  }
0x180: {  	v5 =	vand.u32 $0xFFFFFFFC, v5  }
0x181: {  	v5 =	vbroadcast v5, $0x0;
	_ =	sdelay $0x2  }
0x182: {  	v6, _, _ =	vpop (xrf2)  }
0x183: {  	v6 =	vbroadcast v6, $0xF;
	_ =	sdelay $0x1  }
0x184: {  	[tilespmem:v5+s21+$0x0] =	vst.idx.msk $0x1, v6  }
0x185: {  	v5 =	vld [tilespmem:s29+$0x80]  }
0x186: {  	v6 =	vld [tilespmem:s28+$0x80]  }
0x187: {  	v7 =	vld [tilespmem:s29+$0x90]  }
0x188: {  	v49 =	vld [tilespmem:s28+$0x90]  }
0x189: {  	v50 =	vld [tilespmem:s29+$0xA0]  }
0x18a: {  	v51 =	vld [tilespmem:s28+$0xA0]  }
0x18b: {  	v52 =	vld [tilespmem:s28+$0xB0];
	v5 =	vadd.f32 v6, v5  }
0x18c: {  	v6 =	vld [tilespmem:s29+$0xB0]  }
0x18d: {  	v7 =	vadd.f32 v49, v7;
	v5 =	vmax.f32 v5, $0.0e+00  }
0x18e: {  	v5 =	vmul.f32 v5, v0  }
0x18f: {  	v53 =	vadd.f32 v51, v50;
	v7 =	vmax.f32 v7, $0.0e+00  }
0x190: {  	v7 =	vmul.f32 v7, v1;
	v5 =	vadd.f32 v5, v4  }
0x191: {  	v8 =	vmax.f32 v53, $0.0e+00;
	v6 =	vadd.f32 v52, v6  }
0x192: {  	v5 =	vadd.f32 v7, v5;
	v7 =	vmul.f32 v8, v2  }
0x193: {  	v6 =	vmax.f32 v6, $0.0e+00  }
0x194: {  	v6 =	vmul.f32 v6, v3;
	v5 =	vadd.f32 v7, v5;
	_ =	sdelay $0x1  }
0x195: {  	v5 =	vadd.f32 v6, v5;
	_ =	sdelay $0x1  }
0x196: {  	(xrf2) =	vadd.scan.msk.f32 $0xffff, v5;
	_ =	sdelay $0x3  }
0x197: {  	s31 =	sadd.s32 $0xFFFFFFFE, s26  }
0x198: {  	v5 =	vmov s31  }
0x199: {  	v5 =	vand.u32 $0xFFFFFFFD, v5  }
0x19a: {  	v5 =	vbroadcast v5, $0x0;
	_ =	sdelay $0x2  }
0x19b: {  	v6, _, _ =	vpop (xrf2)  }
0x19c: {  	v6 =	vbroadcast v6, $0xF;
	_ =	sdelay $0x1  }
0x19d: {  	[tilespmem:v5+s21+$0x0] =	vst.idx.msk $0x1, v6  }
0x19e: {  	v5 =	vld [tilespmem:s29+$0x100]  }
0x19f: {  	v6 =	vld [tilespmem:s28+$0x100]  }
0x1a0: {  	v7 =	vld [tilespmem:s29+$0x110]  }
0x1a1: {  	v54 =	vld [tilespmem:s28+$0x110]  }
0x1a2: {  	v55 =	vld [tilespmem:s29+$0x120]  }
0x1a3: {  	v56 =	vld [tilespmem:s28+$0x120]  }
0x1a4: {  	v57 =	vld [tilespmem:s28+$0x130];
	v5 =	vadd.f32 v6, v5  }
0x1a5: {  	v6 =	vld [tilespmem:s29+$0x130]  }
0x1a6: {  	v7 =	vadd.f32 v54, v7;
	v5 =	vmax.f32 v5, $0.0e+00  }
0x1a7: {  	v5 =	vmul.f32 v5, v0  }
0x1a8: {  	v58 =	vadd.f32 v56, v55;
	v7 =	vmax.f32 v7, $0.0e+00  }
0x1a9: {  	v7 =	vmul.f32 v7, v1;
	v5 =	vadd.f32 v5, v4  }
0x1aa: {  	v8 =	vmax.f32 v58, $0.0e+00;
	v6 =	vadd.f32 v57, v6  }
0x1ab: {  	v5 =	vadd.f32 v7, v5;
	v7 =	vmul.f32 v8, v2  }
0x1ac: {  	v6 =	vmax.f32 v6, $0.0e+00  }
0x1ad: {  	v6 =	vmul.f32 v6, v3;
	v5 =	vadd.f32 v7, v5;
	_ =	sdelay $0x1  }
0x1ae: {  	v5 =	vadd.f32 v6, v5;
	_ =	sdelay $0x1  }
0x1af: {  	(xrf2) =	vadd.scan.msk.f32 $0xffff, v5;
	_ =	sdelay $0x3  }
0x1b0: {  	s31 =	sadd.s32 $0xFFFFFFFF, s26  }
0x1b1: {  	v5 =	vmov s31  }
0x1b2: {  	v5 =	vand.u32 $0xFFFFFFFE, v5  }
0x1b3: {  	v5 =	vbroadcast v5, $0x0;
	_ =	sdelay $0x2  }
0x1b4: {  	v6, _, _ =	vpop (xrf2)  }
0x1b5: {  	v6 =	vbroadcast v6, $0xF;
	_ =	sdelay $0x1  }
0x1b6: {  	[tilespmem:v5+s21+$0x0] =	vst.idx.msk $0x1, v6  }
0x1b7: {  	v5 =	vld [tilespmem:s29+$0x180]  }
0x1b8: {  	v6 =	vld [tilespmem:s28+$0x180]  }
0x1b9: {  	v7 =	vld [tilespmem:s29+$0x190]  }
0x1ba: {  	v59 =	vld [tilespmem:s28+$0x190]  }
0x1bb: {  	v60 =	vld [tilespmem:s29+$0x1A0]  }
0x1bc: {  	v61 =	vld [tilespmem:s28+$0x1A0]  }
0x1bd: {  	v62 =	vld [tilespmem:s28+$0x1B0];
	v5 =	vadd.f32 v6, v5  }
0x1be: {  	v6 =	vld [tilespmem:s29+$0x1B0]  }
0x1bf: {  	v7 =	vadd.f32 v59, v7;
	v5 =	vmax.f32 v5, $0.0e+00  }
0x1c0: {  	v5 =	vmul.f32 v5, v0  }
0x1c1: {  	v63 =	vadd.f32 v61, v60;
	v7 =	vmax.f32 v7, $0.0e+00  }
0x1c2: {  	v7 =	vmul.f32 v7, v1;
	v5 =	vadd.f32 v5, v4  }
0x1c3: {  	v8 =	vmax.f32 v63, $0.0e+00;
	v6 =	vadd.f32 v62, v6  }
0x1c4: {  	v5 =	vadd.f32 v7, v5;
	v7 =	vmul.f32 v8, v2  }
0x1c5: {  	v6 =	vmax.f32 v6, $0.0e+00  }
0x1c6: {  	v6 =	vmul.f32 v6, v3;
	v5 =	vadd.f32 v7, v5;
	_ =	sdelay $0x1  }
0x1c7: {  	v5 =	vadd.f32 v6, v5;
	_ =	sdelay $0x1  }
0x1c8: {  	(xrf2) =	vadd.scan.msk.f32 $0xffff, v5;
	_ =	sdelay $0x7  }
0x1c9: {  	p0 =	sne.s32 s26, $0x7F;
	v5 =	vmov s26  }
.Ltmp1:
0x1ca: {  	_ = 	snop;
	(pc) =	sbr.rel @p0 .LBB2_5-.Ltmp1, $3  }
0x1cb: {  	v6, _, _ =	vpop (xrf2)  }
0x1cc: {  	v6 =	vbroadcast v6, $0xF;
	_ =	sdelay $0x1  }
0x1cd: {  	s28 =	sadd.s32 $0x400, s28;
	s29 =	sadd.s32 $0x400, s29;
	s26 =	sadd.s32 $0x8, s26;
	[tilespmem:v5+s21+$0x0] =	vst.idx.msk $0x1, v6  }
0x1ce: {  	s25 =	sadd.s32 s4, s25  }
0x1cf: {  	s24 =	sadd.s32 $0x1, s24;
	p0 =	sgt.u32 s25, $0x4E1FF  }
0x1d0: {  	p1 =	sne.s32 s24, $0x28;
	s25 =	sshrl.u32 @!p0 s25, $0x3  }
0x1d1: {  	s26 =	simm.s32 @!p0 $0x0;
	s28 =	simm.s32 @!p0 $0x15000;
	s25 =	sadd.s32 @!p0 s7, s25  }
0x1d2: {  	[hbm4b:s25+s26] =	stream.linear.scatter @!p0 [tilespmem:s28], [sflag:$0x3], $0x80, $0x38;
	[tilespmem:$0x15180] =	vst v63  }
.Ltmp2:
0x1d3: {  	_ = 	snop;
	(pc) =	sbr.rel @p1 .LBB2_2-.Ltmp2, $4  }
0x1d4: {  	s25 =	simm.s32 @!p0 $0x3  }
0x1d5: {  	_ =	swait.ge @!p0 [sflag:s25], $0x80  }
0x1d6: {  	[sflag:s25] =	ssyncset.done @!p0 $0x0  }
0x1d7: {  	[sflag:s25] =	ssyncadd.s32 @!p0 $0xFFFFFF80  }
0x1d8: {  	s23 =	sadd.s32 $0x1, s23  }
0x1d9: {  	p0 =	sne.s32 s23, s10  }
.Ltmp3:
0x1da: {  	_ = 	snop;
	(pc) =	sbr.rel @p0 .LBB2_1-.Ltmp3, $1  }
0x1db: {  	_ =	sdelay $0x3  }
0x1dc: {  	_ =	sfence.sel $0x180000  }
0x1dd: {  	[bflag:$0x0] =	sbarrier.arrive $0xFFFF  }
0x1de: {  	p0 =	sne.s32 s0, $0x0;
	_ =	strace $0x9000004A  }
0x1df: {  	s0 =	sadd.s32 @!p0 $0x100000, s1;
	[bflag:$0x2] =	sbarrier.arrive $0xFFFF  }
0x1e0: {  	[sflag:s0] =	ssyncadd.tile.s32 @!p0 $0x1;
	_ =	shalt  }
.Lfunc_end2:
_tile_overlayer_lowered:
.L_overlay_start_2:
0x1e1: {  	(tag) =	ssettag $0x2  }
0x1e2: {  	s0 =	rddreg [dreg:$0x0];
	s2 =	stileid.u32  }
0x1e3: {  	s1 =	rddreg [dreg:$0x1];
	p0 =	sne.s32 s2, $0x0  }
0x1e4: {  	s3 =	rddreg [dreg:$0x2];
	[bflag:$0x3] =	sbarrier.arrive $0xFFFF;
	s2 =	simm.s32 @!p0 $0x1C03  }
0x1e5: {  	[timem:s3], [sflag:s2] =	dma.local @!p0 [hbm:s0], s1  }
0x1e6: {  	s0 =	simm.s32 @!p0 $0x3  }
0x1e7: {  	_ =	swait.ge @!p0 [sflag:s0], s1  }
0x1e8: {  	s1 =	ssub.s32 @!p0 $0x0, s1;
	[sflag:s0] =	ssyncset.done @!p0 $0x0  }
0x1e9: {  	[sflag:s0] =	ssyncadd.s32 @!p0 s1  }
0x1ea: {  	[bflag:$0x3] =	sbarrier.arrive $0xFFFF  }
0x1eb: {  	_ =	shalt  }

</sc_bundles>
